<compile_context>
chip_gen: v7x
topology: tpu7x:2x2x1
jax: 0.10.2.dev20260603
libtpu: 0.0.44.dev20260713+nightly
codegen_flags: <defaults>
</compile_context>

<pallas_src>
import functools

import jax
import jax.numpy as jnp
from jax import lax
from jax.experimental import pallas as pl
from jax.experimental.pallas import tpu as pltpu
from jax.experimental.pallas import tpu_sc as plsc

_NC = 2
_NS = 16
_NW = _NC * _NS

_CH = 16
_NBUF = 3


@functools.lru_cache(maxsize=None)
def _make_gather(n_tokens: int, hidden: int):
    per_w = n_tokens // _NW
    nch = per_w // _CH
    assert nch % _NBUF == 1
    mesh = plsc.VectorSubcoreMesh(core_axis_name="c", subcore_axis_name="s")

    @functools.partial(
        pl.kernel,
        out_type=jax.ShapeDtypeStruct((n_tokens, hidden), jnp.float32),
        mesh=mesh,
        scratch_types=[
            pltpu.VMEM((per_w,), jnp.int32),
            pltpu.VMEM((_NBUF, _CH, hidden), jnp.float32),
            pltpu.SemaphoreType.DMA,
            pltpu.SemaphoreType.DMA,
            pltpu.SemaphoreType.DMA,
            pltpu.SemaphoreType.DMA,
            pltpu.SemaphoreType.DMA,
            pltpu.SemaphoreType.DMA,
        ],
    )
    def gather_kernel(table_hbm, ids_hbm, out_hbm, idx_v, rows_v,
                      g0, g1, g2, w0, w1, w2):
        gsem = (g0, g1, g2)
        wsem = (w0, w1, w2)
        wid = lax.axis_index("s") * _NC + lax.axis_index("c")
        base = pl.multiple_of(wid * per_w, 8)

        pltpu.sync_copy(ids_hbm.at[pl.ds(base, per_w)], idx_v)

        def chunk_idx(c):
            return idx_v.at[pl.ds(pl.multiple_of(c * _CH, 8), _CH)]

        def gather_copy(c, b):
            return pltpu.make_async_copy(
                table_hbm.at[chunk_idx(c)], rows_v.at[b], gsem[b])

        def write_copy(c, b):
            return pltpu.make_async_copy(
                rows_v.at[b],
                out_hbm.at[pl.ds(pl.multiple_of(base + c * _CH, 8), _CH)],
                wsem[b])

        for b in range(_NBUF):
            gather_copy(b, b).start()
        gather_copy(0, 0).wait()
        write_copy(0, 0).start()

        def body(i, carry):
            c0 = 1 + i * _NBUF
            for j in range(_NBUF):
                c = c0 + j
                bp = j
                b = (j + 1) % 3
                write_copy(c - 1, bp).wait()
                gather_copy(c + 2, bp).start()
                gather_copy(c, b).wait()
                write_copy(c, b).start()
            return carry

        lax.fori_loop(0, (nch - 4) // _NBUF, body, 0)

        c = nch - 3
        write_copy(c - 1, 0).wait()
        gather_copy(c + 2, 0).start()
        gather_copy(c, 1).wait()
        write_copy(c, 1).start()

        c = nch - 2
        write_copy(c - 1, 1).wait()
        gather_copy(c, 2).wait()
        write_copy(c, 2).start()

        c = nch - 1
        write_copy(c - 1, 2).wait()
        gather_copy(c, 0).wait()
        write_copy(c, 0).start()
        write_copy(c, 0).wait()

    return gather_kernel


def kernel(input_ids, embed_tokens):
    batch, seq = input_ids.shape
    _, hidden = embed_tokens.shape
    ids_flat = input_ids.reshape(-1).astype(jnp.int32)
    rows = _make_gather(batch * seq, hidden)(embed_tokens, ids_flat)
    inputs_embeds = rows.reshape(batch, seq, hidden)
    cache_position = jnp.arange(seq, dtype=jnp.int32)
    position_ids = cache_position[None, :]
    return (inputs_embeds, position_ids, cache_position)

# --- scband reference (transcript-rebuilt; emitter-appended) ---
"""Pipeline reference for scband-phi3-embedding-45810121179335 (READ-ONLY COPY).

The authoritative reference and input builder live on the scoring server;
editing this copy changes nothing except your own understanding.
"""

import jax, jax.numpy as jnp
import numpy as np

VOCAB = 32000 + 64
HIDDEN = 2048
BATCH = 4
SEQ = 8192

def setup_inputs(seed: int = 0) -> dict:
    key = jax.random.key(seed)
    k_ids, k_tab = jax.random.split(key)
    input_ids = jax.random.randint(k_ids, (BATCH, SEQ), 0, VOCAB, dtype=jnp.int64 if jax.config.jax_enable_x64 else jnp.int32)
    embed_tokens = jax.random.normal(k_tab, (VOCAB, HIDDEN), dtype=jnp.float32) * 0.02
    return {"input_ids": input_ids, "embed_tokens": embed_tokens}

def reference(input_ids, embed_tokens):
    # inputs_embeds = self.embed_tokens(input_ids)  (dropout is defined but not applied in forward)
    inputs_embeds = jnp.take(embed_tokens, input_ids, axis=0)
    # past_key_values is None -> past_seen_tokens = 0
    past_seen_tokens = 0
    cache_position = jnp.arange(past_seen_tokens, past_seen_tokens + inputs_embeds.shape[1], dtype=jnp.int32)
    # position_ids is None -> derived from cache_position
    position_ids = cache_position[None, :]
    # _attn_implementation == 'flash_attention_2' and attention_mask is None -> causal_mask = None
    # past_key_values = None, next_decoder_cache = None (dropped from returned tuple: arrays only)
    return (inputs_embeds, position_ids, cache_position)

if __name__ == "__main__":
    import jax
    _d = setup_inputs()
    print(jax.jit(kernel)(*tuple(_d.values())))

</pallas_src>

<mosaic_0001>
#map = affine_map<(d0, d1) -> (0, 0)>
#map1 = affine_map<(d0, d1) -> (0)>
module attributes {stable_mosaic.version = 14 : i64} {
  func.func @gather_kernel(%arg0: i32, %arg1: i32, %arg2: memref<32064x2048xf32, #tpu.memory_space<hbm>>, %arg3: memref<32768xi32, #tpu.memory_space<hbm>>, %arg4: memref<32768x2048xf32, #tpu.memory_space<hbm>>, %arg5: memref<1024xi32, #tpu.memory_space<vmem>>, %arg6: memref<3x16x2048xf32, #tpu.memory_space<vmem>>, %arg7: memref<!tpu.dma_semaphore, #tpu.memory_space<semaphore_mem>>, %arg8: memref<!tpu.dma_semaphore, #tpu.memory_space<semaphore_mem>>, %arg9: memref<!tpu.dma_semaphore, #tpu.memory_space<semaphore_mem>>, %arg10: memref<!tpu.dma_semaphore, #tpu.memory_space<semaphore_mem>>, %arg11: memref<!tpu.dma_semaphore, #tpu.memory_space<semaphore_mem>>, %arg12: memref<!tpu.dma_semaphore, #tpu.memory_space<semaphore_mem>>) attributes {dimension_semantics = [#tpu.dimension_semantics<core_parallel>, #tpu.dimension_semantics<subcore_parallel>], iteration_bounds = array<i64: 2, 16>, scalar_prefetch = 0 : i64, scratch_operands = 8 : i64, tpu.core_type = #tpu.core_type<sc_vector_subcore>, window_params = [{transform_indices = #map}, {transform_indices = #map1}, {transform_indices = #map}]} {
    %mul3A = arith.constant 2 : i32
    %mul3A_0 = arith.muli %arg1, %mul3A : i32
    %add3A = arith.addi %mul3A_0, %arg0 : i32
    %mul3A_1 = arith.constant 1024 : i32
    %mul3A_2 = arith.muli %add3A, %mul3A_1 : i32
    %multiple_of3A = tpu.assume_multiple %mul3A_2, 8 : i32
    "tpu.region"() ({
      %run_scoped3A = tpu.sem_alloc : memref<!tpu.dma_semaphore, #tpu.memory_space<semaphore_mem>>
      %dma_start3A_222 = tpu.memref_slice %arg3[%multiple_of3A] : memref<32768xi32, #tpu.memory_space<hbm>> -> memref<1024xi32, #tpu.memory_space<hbm>>
      %dma_start3A_223 = tpu.memref_slice %arg3[%multiple_of3A] : memref<32768xi32, #tpu.memory_space<hbm>> -> memref<1024xi32, #tpu.memory_space<hbm>>
      tpu.enqueue_dma source(%dma_start3A_223 : memref<1024xi32, #tpu.memory_space<hbm>>) target(%arg5 : memref<1024xi32, #tpu.memory_space<vmem>>) target_semaphore(%run_scoped3A : memref<!tpu.dma_semaphore, #tpu.memory_space<semaphore_mem>>)
      %dma_wait3A_224 = tpu.memref_slice %arg3[%multiple_of3A] : memref<32768xi32, #tpu.memory_space<hbm>> -> memref<1024xi32, #tpu.memory_space<hbm>>
      %dma_wait3A_225 = tpu.memref_slice %arg3[%multiple_of3A] : memref<32768xi32, #tpu.memory_space<hbm>> -> memref<1024xi32, #tpu.memory_space<hbm>>
      tpu.wait_dma2 semaphore(%run_scoped3A : memref<!tpu.dma_semaphore, #tpu.memory_space<semaphore_mem>>) src(%dma_wait3A_225 : memref<1024xi32, #tpu.memory_space<hbm>>) dst(%arg5 : memref<1024xi32, #tpu.memory_space<vmem>>)
      tpu.yield
    }) : () -> ()
    %multiple_of3A_3 = arith.constant 0 : i32
    %multiple_of3A_4 = tpu.assume_multiple %multiple_of3A_3, 8 : i32
    %dma_start3A = arith.constant 0 : i32
    %dma_start3A_5 = arith.constant 0 : i32
    %dma_start3A_6 = arith.constant 0 : i32
    %dma_start3A_7 = tpu.memref_slice %arg6[%dma_start3A, %dma_start3A_5, %dma_start3A_6] : memref<3x16x2048xf32, #tpu.memory_space<vmem>> -> memref<1x16x2048xf32, #tpu.memory_space<vmem>>
    %dma_start3A_8 = tpu.memref_squeeze %dma_start3A_7 : memref<1x16x2048xf32, #tpu.memory_space<vmem>> -> memref<16x2048xf32, #tpu.memory_space<vmem>>
    %dma_start3A_9 = tpu.memref_slice %arg5[%multiple_of3A_4] : memref<1024xi32, #tpu.memory_space<vmem>> -> memref<16xi32, #tpu.memory_space<vmem>>
    %dma_start3A_10 = arith.constant 0 : i32
    %dma_start3A_11 = arith.constant 0 : i32
    %dma_start3A_12 = tpu.memref_slice %arg2[%dma_start3A_10, %dma_start3A_11] : memref<32064x2048xf32, #tpu.memory_space<hbm>> -> memref<32064x2048xf32, #tpu.memory_space<hbm>>
    tpu.enqueue_indirect_dma source(%dma_start3A_12 : memref<32064x2048xf32, #tpu.memory_space<hbm>>) target(%dma_start3A_8 : memref<16x2048xf32, #tpu.memory_space<vmem>>) offsets(%dma_start3A_9 : memref<16xi32, #tpu.memory_space<vmem>>) semaphore(%arg7 : memref<!tpu.dma_semaphore, #tpu.memory_space<semaphore_mem>>)
    %multiple_of3A_13 = arith.constant 16 : i32
    %multiple_of3A_14 = tpu.assume_multiple %multiple_of3A_13, 8 : i32
    %dma_start3A_15 = arith.constant 1 : i32
    %dma_start3A_16 = arith.constant 0 : i32
    %dma_start3A_17 = arith.constant 0 : i32
    %dma_start3A_18 = tpu.memref_slice %arg6[%dma_start3A_15, %dma_start3A_16, %dma_start3A_17] : memref<3x16x2048xf32, #tpu.memory_space<vmem>> -> memref<1x16x2048xf32, #tpu.memory_space<vmem>>
    %dma_start3A_19 = tpu.memref_squeeze %dma_start3A_18 : memref<1x16x2048xf32, #tpu.memory_space<vmem>> -> memref<16x2048xf32, #tpu.memory_space<vmem>>
    %dma_start3A_20 = tpu.memref_slice %arg5[%multiple_of3A_14] : memref<1024xi32, #tpu.memory_space<vmem>> -> memref<16xi32, #tpu.memory_space<vmem>>
    %dma_start3A_21 = arith.constant 0 : i32
    %dma_start3A_22 = arith.constant 0 : i32
    %dma_start3A_23 = tpu.memref_slice %arg2[%dma_start3A_21, %dma_start3A_22] : memref<32064x2048xf32, #tpu.memory_space<hbm>> -> memref<32064x2048xf32, #tpu.memory_space<hbm>>
    tpu.enqueue_indirect_dma source(%dma_start3A_23 : memref<32064x2048xf32, #tpu.memory_space<hbm>>) target(%dma_start3A_19 : memref<16x2048xf32, #tpu.memory_space<vmem>>) offsets(%dma_start3A_20 : memref<16xi32, #tpu.memory_space<vmem>>) semaphore(%arg8 : memref<!tpu.dma_semaphore, #tpu.memory_space<semaphore_mem>>)
    %multiple_of3A_24 = arith.constant 32 : i32
    %multiple_of3A_25 = tpu.assume_multiple %multiple_of3A_24, 8 : i32
    %dma_start3A_26 = arith.constant 2 : i32
    %dma_start3A_27 = arith.constant 0 : i32
    %dma_start3A_28 = arith.constant 0 : i32
    %dma_start3A_29 = tpu.memref_slice %arg6[%dma_start3A_26, %dma_start3A_27, %dma_start3A_28] : memref<3x16x2048xf32, #tpu.memory_space<vmem>> -> memref<1x16x2048xf32, #tpu.memory_space<vmem>>
    %dma_start3A_30 = tpu.memref_squeeze %dma_start3A_29 : memref<1x16x2048xf32, #tpu.memory_space<vmem>> -> memref<16x2048xf32, #tpu.memory_space<vmem>>
    %dma_start3A_31 = tpu.memref_slice %arg5[%multiple_of3A_25] : memref<1024xi32, #tpu.memory_space<vmem>> -> memref<16xi32, #tpu.memory_space<vmem>>
    %dma_start3A_32 = arith.constant 0 : i32
    %dma_start3A_33 = arith.constant 0 : i32
    %dma_start3A_34 = tpu.memref_slice %arg2[%dma_start3A_32, %dma_start3A_33] : memref<32064x2048xf32, #tpu.memory_space<hbm>> -> memref<32064x2048xf32, #tpu.memory_space<hbm>>
    tpu.enqueue_indirect_dma source(%dma_start3A_34 : memref<32064x2048xf32, #tpu.memory_space<hbm>>) target(%dma_start3A_30 : memref<16x2048xf32, #tpu.memory_space<vmem>>) offsets(%dma_start3A_31 : memref<16xi32, #tpu.memory_space<vmem>>) semaphore(%arg9 : memref<!tpu.dma_semaphore, #tpu.memory_space<semaphore_mem>>)
    %multiple_of3A_35 = arith.constant 0 : i32
    %multiple_of3A_36 = tpu.assume_multiple %multiple_of3A_35, 8 : i32
    %dma_wait3A = arith.constant 0 : i32
    %dma_wait3A_37 = arith.constant 0 : i32
    %dma_wait3A_38 = arith.constant 0 : i32
    %dma_wait3A_39 = tpu.memref_slice %arg6[%dma_wait3A, %dma_wait3A_37, %dma_wait3A_38] : memref<3x16x2048xf32, #tpu.memory_space<vmem>> -> memref<1x16x2048xf32, #tpu.memory_space<vmem>>
    %dma_wait3A_40 = tpu.memref_squeeze %dma_wait3A_39 : memref<1x16x2048xf32, #tpu.memory_space<vmem>> -> memref<16x2048xf32, #tpu.memory_space<vmem>>
    %dma_wait3A_41 = tpu.memref_slice %arg5[%multiple_of3A_36] : memref<1024xi32, #tpu.memory_space<vmem>> -> memref<16xi32, #tpu.memory_space<vmem>>
    %dma_wait3A_42 = arith.constant 0 : i32
    %dma_wait3A_43 = arith.constant 0 : i32
    %dma_wait3A_44 = tpu.memref_slice %arg2[%dma_wait3A_42, %dma_wait3A_43] : memref<32064x2048xf32, #tpu.memory_space<hbm>> -> memref<32064x2048xf32, #tpu.memory_space<hbm>>
    tpu.wait_indirect_dma semaphore(%arg7 : memref<!tpu.dma_semaphore, #tpu.memory_space<semaphore_mem>>) src(%dma_wait3A_44 : memref<32064x2048xf32, #tpu.memory_space<hbm>>) dst(%dma_wait3A_40 : memref<16x2048xf32, #tpu.memory_space<vmem>>)
    %add3A_45 = arith.constant 0 : i32
    %add3A_46 = arith.addi %multiple_of3A, %add3A_45 : i32
    %multiple_of3A_47 = tpu.assume_multiple %add3A_46, 8 : i32
    %dma_start3A_48 = arith.constant 0 : i32
    %dma_start3A_49 = arith.constant 0 : i32
    %dma_start3A_50 = arith.constant 0 : i32
    %dma_start3A_51 = tpu.memref_slice %arg6[%dma_start3A_48, %dma_start3A_49, %dma_start3A_50] : memref<3x16x2048xf32, #tpu.memory_space<vmem>> -> memref<1x16x2048xf32, #tpu.memory_space<vmem>>
    %dma_start3A_52 = tpu.memref_squeeze %dma_start3A_51 : memref<1x16x2048xf32, #tpu.memory_space<vmem>> -> memref<16x2048xf32, #tpu.memory_space<vmem>>
    %dma_start3A_53 = arith.constant 0 : i32
    %dma_start3A_54 = tpu.memref_slice %arg4[%multiple_of3A_47, %dma_start3A_53] : memref<32768x2048xf32, #tpu.memory_space<hbm>> -> memref<16x2048xf32, #tpu.memory_space<hbm>>
    %dma_start3A_55 = arith.constant 0 : i32
    %dma_start3A_56 = tpu.memref_slice %arg4[%multiple_of3A_47, %dma_start3A_55] : memref<32768x2048xf32, #tpu.memory_space<hbm>> -> memref<16x2048xf32, #tpu.memory_space<hbm>>
    %dma_start3A_57 = arith.constant 0 : i32
    %dma_start3A_58 = arith.constant 0 : i32
    %dma_start3A_59 = tpu.memref_slice %arg6[%dma_start3A_48, %dma_start3A_57, %dma_start3A_58] : memref<3x16x2048xf32, #tpu.memory_space<vmem>> -> memref<1x16x2048xf32, #tpu.memory_space<vmem>>
    %dma_start3A_60 = tpu.memref_squeeze %dma_start3A_59 : memref<1x16x2048xf32, #tpu.memory_space<vmem>> -> memref<16x2048xf32, #tpu.memory_space<vmem>>
    tpu.enqueue_dma source(%dma_start3A_60 : memref<16x2048xf32, #tpu.memory_space<vmem>>) target(%dma_start3A_56 : memref<16x2048xf32, #tpu.memory_space<hbm>>) target_semaphore(%arg10 : memref<!tpu.dma_semaphore, #tpu.memory_space<semaphore_mem>>)
    %scan3A = arith.constant 0 : i32
    %scan3A_61 = arith.constant 0 : i32
    %scan3A_62 = arith.constant 20 : i32
    %scan3A_63 = arith.addi %scan3A_61, %scan3A_62 : i32
    %scan3A_64 = arith.constant 1 : i32
    scf.for %scan3A_222 = %scan3A_61 to %scan3A_63 step %scan3A_64  : i32 {
      %mul3A_223 = arith.constant 3 : i32
      %mul3A_224 = arith.muli %scan3A_222, %mul3A_223 : i32
      %add3A_225 = arith.constant 1 : i32
      %add3A_226 = arith.addi %add3A_225, %mul3A_224 : i32
      %add3A_227 = arith.constant 0 : i32
      %add3A_228 = arith.addi %add3A_226, %add3A_227 : i32
      %sub3A = arith.constant 1 : i32
      %sub3A_229 = arith.subi %add3A_228, %sub3A : i32
      %mul3A_230 = arith.constant 16 : i32
      %mul3A_231 = arith.muli %sub3A_229, %mul3A_230 : i32
      %add3A_232 = arith.addi %multiple_of3A, %mul3A_231 : i32
      %multiple_of3A_233 = tpu.assume_multiple %add3A_232, 8 : i32
      %dma_wait3A_234 = arith.constant 0 : i32
      %dma_wait3A_235 = arith.constant 0 : i32
      %dma_wait3A_236 = arith.constant 0 : i32
      %dma_wait3A_237 = tpu.memref_slice %arg6[%dma_wait3A_234, %dma_wait3A_235, %dma_wait3A_236] : memref<3x16x2048xf32, #tpu.memory_space<vmem>> -> memref<1x16x2048xf32, #tpu.memory_space<vmem>>
      %dma_wait3A_238 = tpu.memref_squeeze %dma_wait3A_237 : memref<1x16x2048xf32, #tpu.memory_space<vmem>> -> memref<16x2048xf32, #tpu.memory_space<vmem>>
      %dma_wait3A_239 = arith.constant 0 : i32
      %dma_wait3A_240 = tpu.memref_slice %arg4[%multiple_of3A_233, %dma_wait3A_239] : memref<32768x2048xf32, #tpu.memory_space<hbm>> -> memref<16x2048xf32, #tpu.memory_space<hbm>>
      %dma_wait3A_241 = arith.constant 0 : i32
      %dma_wait3A_242 = tpu.memref_slice %arg4[%multiple_of3A_233, %dma_wait3A_241] : memref<32768x2048xf32, #tpu.memory_space<hbm>> -> memref<16x2048xf32, #tpu.memory_space<hbm>>
      %dma_wait3A_243 = arith.constant 0 : i32
      %dma_wait3A_244 = arith.constant 0 : i32
      %dma_wait3A_245 = tpu.memref_slice %arg6[%dma_wait3A_234, %dma_wait3A_243, %dma_wait3A_244] : memref<3x16x2048xf32, #tpu.memory_space<vmem>> -> memref<1x16x2048xf32, #tpu.memory_space<vmem>>
      %dma_wait3A_246 = tpu.memref_squeeze %dma_wait3A_245 : memref<1x16x2048xf32, #tpu.memory_space<vmem>> -> memref<16x2048xf32, #tpu.memory_space<vmem>>
      tpu.wait_dma2 semaphore(%arg10 : memref<!tpu.dma_semaphore, #tpu.memory_space<semaphore_mem>>) src(%dma_wait3A_246 : memref<16x2048xf32, #tpu.memory_space<vmem>>) dst(%dma_wait3A_242 : memref<16x2048xf32, #tpu.memory_space<hbm>>)
      %add3A_247 = arith.constant 2 : i32
      %add3A_248 = arith.addi %add3A_228, %add3A_247 : i32
      %mul3A_249 = arith.constant 16 : i32
      %mul3A_250 = arith.muli %add3A_248, %mul3A_249 : i32
      %multiple_of3A_251 = tpu.assume_multiple %mul3A_250, 8 : i32
      %dma_start3A_252 = arith.constant 0 : i32
      %dma_start3A_253 = arith.constant 0 : i32
      %dma_start3A_254 = arith.constant 0 : i32
      %dma_start3A_255 = tpu.memref_slice %arg6[%dma_start3A_252, %dma_start3A_253, %dma_start3A_254] : memref<3x16x2048xf32, #tpu.memory_space<vmem>> -> memref<1x16x2048xf32, #tpu.memory_space<vmem>>
      %dma_start3A_256 = tpu.memref_squeeze %dma_start3A_255 : memref<1x16x2048xf32, #tpu.memory_space<vmem>> -> memref<16x2048xf32, #tpu.memory_space<vmem>>
      %dma_start3A_257 = tpu.memref_slice %arg5[%multiple_of3A_251] : memref<1024xi32, #tpu.memory_space<vmem>> -> memref<16xi32, #tpu.memory_space<vmem>>
      %dma_start3A_258 = arith.constant 0 : i32
      %dma_start3A_259 = arith.constant 0 : i32
      %dma_start3A_260 = tpu.memref_slice %arg2[%dma_start3A_258, %dma_start3A_259] : memref<32064x2048xf32, #tpu.memory_space<hbm>> -> memref<32064x2048xf32, #tpu.memory_space<hbm>>
      tpu.enqueue_indirect_dma source(%dma_start3A_260 : memref<32064x2048xf32, #tpu.memory_space<hbm>>) target(%dma_start3A_256 : memref<16x2048xf32, #tpu.memory_space<vmem>>) offsets(%dma_start3A_257 : memref<16xi32, #tpu.memory_space<vmem>>) semaphore(%arg7 : memref<!tpu.dma_semaphore, #tpu.memory_space<semaphore_mem>>)
      %mul3A_261 = arith.constant 16 : i32
      %mul3A_262 = arith.muli %add3A_228, %mul3A_261 : i32
      %multiple_of3A_263 = tpu.assume_multiple %mul3A_262, 8 : i32
      %dma_wait3A_264 = arith.constant 1 : i32
      %dma_wait3A_265 = arith.constant 0 : i32
      %dma_wait3A_266 = arith.constant 0 : i32
      %dma_wait3A_267 = tpu.memref_slice %arg6[%dma_wait3A_264, %dma_wait3A_265, %dma_wait3A_266] : memref<3x16x2048xf32, #tpu.memory_space<vmem>> -> memref<1x16x2048xf32, #tpu.memory_space<vmem>>
      %dma_wait3A_268 = tpu.memref_squeeze %dma_wait3A_267 : memref<1x16x2048xf32, #tpu.memory_space<vmem>> -> memref<16x2048xf32, #tpu.memory_space<vmem>>
      %dma_wait3A_269 = tpu.memref_slice %arg5[%multiple_of3A_263] : memref<1024xi32, #tpu.memory_space<vmem>> -> memref<16xi32, #tpu.memory_space<vmem>>
      %dma_wait3A_270 = arith.constant 0 : i32
      %dma_wait3A_271 = arith.constant 0 : i32
      %dma_wait3A_272 = tpu.memref_slice %arg2[%dma_wait3A_270, %dma_wait3A_271] : memref<32064x2048xf32, #tpu.memory_space<hbm>> -> memref<32064x2048xf32, #tpu.memory_space<hbm>>
      tpu.wait_indirect_dma semaphore(%arg8 : memref<!tpu.dma_semaphore, #tpu.memory_space<semaphore_mem>>) src(%dma_wait3A_272 : memref<32064x2048xf32, #tpu.memory_space<hbm>>) dst(%dma_wait3A_268 : memref<16x2048xf32, #tpu.memory_space<vmem>>)
      %mul3A_273 = arith.constant 16 : i32
      %mul3A_274 = arith.muli %add3A_228, %mul3A_273 : i32
      %add3A_275 = arith.addi %multiple_of3A, %mul3A_274 : i32
      %multiple_of3A_276 = tpu.assume_multiple %add3A_275, 8 : i32
      %dma_start3A_277 = arith.constant 1 : i32
      %dma_start3A_278 = arith.constant 0 : i32
      %dma_start3A_279 = arith.constant 0 : i32
      %dma_start3A_280 = tpu.memref_slice %arg6[%dma_start3A_277, %dma_start3A_278, %dma_start3A_279] : memref<3x16x2048xf32, #tpu.memory_space<vmem>> -> memref<1x16x2048xf32, #tpu.memory_space<vmem>>
      %dma_start3A_281 = tpu.memref_squeeze %dma_start3A_280 : memref<1x16x2048xf32, #tpu.memory_space<vmem>> -> memref<16x2048xf32, #tpu.memory_space<vmem>>
      %dma_start3A_282 = arith.constant 0 : i32
      %dma_start3A_283 = tpu.memref_slice %arg4[%multiple_of3A_276, %dma_start3A_282] : memref<32768x2048xf32, #tpu.memory_space<hbm>> -> memref<16x2048xf32, #tpu.memory_space<hbm>>
      %dma_start3A_284 = arith.constant 0 : i32
      %dma_start3A_285 = tpu.memref_slice %arg4[%multiple_of3A_276, %dma_start3A_284] : memref<32768x2048xf32, #tpu.memory_space<hbm>> -> memref<16x2048xf32, #tpu.memory_space<hbm>>
      %dma_start3A_286 = arith.constant 0 : i32
      %dma_start3A_287 = arith.constant 0 : i32
      %dma_start3A_288 = tpu.memref_slice %arg6[%dma_start3A_277, %dma_start3A_286, %dma_start3A_287] : memref<3x16x2048xf32, #tpu.memory_space<vmem>> -> memref<1x16x2048xf32, #tpu.memory_space<vmem>>
      %dma_start3A_289 = tpu.memref_squeeze %dma_start3A_288 : memref<1x16x2048xf32, #tpu.memory_space<vmem>> -> memref<16x2048xf32, #tpu.memory_space<vmem>>
      tpu.enqueue_dma source(%dma_start3A_289 : memref<16x2048xf32, #tpu.memory_space<vmem>>) target(%dma_start3A_285 : memref<16x2048xf32, #tpu.memory_space<hbm>>) target_semaphore(%arg11 : memref<!tpu.dma_semaphore, #tpu.memory_space<semaphore_mem>>)
      %add3A_290 = arith.constant 1 : i32
      %add3A_291 = arith.addi %add3A_226, %add3A_290 : i32
      %sub3A_292 = arith.constant 1 : i32
      %sub3A_293 = arith.subi %add3A_291, %sub3A_292 : i32
      %mul3A_294 = arith.constant 16 : i32
      %mul3A_295 = arith.muli %sub3A_293, %mul3A_294 : i32
      %add3A_296 = arith.addi %multiple_of3A, %mul3A_295 : i32
      %multiple_of3A_297 = tpu.assume_multiple %add3A_296, 8 : i32
      %dma_wait3A_298 = arith.constant 1 : i32
      %dma_wait3A_299 = arith.constant 0 : i32
      %dma_wait3A_300 = arith.constant 0 : i32
      %dma_wait3A_301 = tpu.memref_slice %arg6[%dma_wait3A_298, %dma_wait3A_299, %dma_wait3A_300] : memref<3x16x2048xf32, #tpu.memory_space<vmem>> -> memref<1x16x2048xf32, #tpu.memory_space<vmem>>
      %dma_wait3A_302 = tpu.memref_squeeze %dma_wait3A_301 : memref<1x16x2048xf32, #tpu.memory_space<vmem>> -> memref<16x2048xf32, #tpu.memory_space<vmem>>
      %dma_wait3A_303 = arith.constant 0 : i32
      %dma_wait3A_304 = tpu.memref_slice %arg4[%multiple_of3A_297, %dma_wait3A_303] : memref<32768x2048xf32, #tpu.memory_space<hbm>> -> memref<16x2048xf32, #tpu.memory_space<hbm>>
      %dma_wait3A_305 = arith.constant 0 : i32
      %dma_wait3A_306 = tpu.memref_slice %arg4[%multiple_of3A_297, %dma_wait3A_305] : memref<32768x2048xf32, #tpu.memory_space<hbm>> -> memref<16x2048xf32, #tpu.memory_space<hbm>>
      %dma_wait3A_307 = arith.constant 0 : i32
      %dma_wait3A_308 = arith.constant 0 : i32
      %dma_wait3A_309 = tpu.memref_slice %arg6[%dma_wait3A_298, %dma_wait3A_307, %dma_wait3A_308] : memref<3x16x2048xf32, #tpu.memory_space<vmem>> -> memref<1x16x2048xf32, #tpu.memory_space<vmem>>
      %dma_wait3A_310 = tpu.memref_squeeze %dma_wait3A_309 : memref<1x16x2048xf32, #tpu.memory_space<vmem>> -> memref<16x2048xf32, #tpu.memory_space<vmem>>
      tpu.wait_dma2 semaphore(%arg11 : memref<!tpu.dma_semaphore, #tpu.memory_space<semaphore_mem>>) src(%dma_wait3A_310 : memref<16x2048xf32, #tpu.memory_space<vmem>>) dst(%dma_wait3A_306 : memref<16x2048xf32, #tpu.memory_space<hbm>>)
      %add3A_311 = arith.constant 2 : i32
      %add3A_312 = arith.addi %add3A_291, %add3A_311 : i32
      %mul3A_313 = arith.constant 16 : i32
      %mul3A_314 = arith.muli %add3A_312, %mul3A_313 : i32
      %multiple_of3A_315 = tpu.assume_multiple %mul3A_314, 8 : i32
      %dma_start3A_316 = arith.constant 1 : i32
      %dma_start3A_317 = arith.constant 0 : i32
      %dma_start3A_318 = arith.constant 0 : i32
      %dma_start3A_319 = tpu.memref_slice %arg6[%dma_start3A_316, %dma_start3A_317, %dma_start3A_318] : memref<3x16x2048xf32, #tpu.memory_space<vmem>> -> memref<1x16x2048xf32, #tpu.memory_space<vmem>>
      %dma_start3A_320 = tpu.memref_squeeze %dma_start3A_319 : memref<1x16x2048xf32, #tpu.memory_space<vmem>> -> memref<16x2048xf32, #tpu.memory_space<vmem>>
      %dma_start3A_321 = tpu.memref_slice %arg5[%multiple_of3A_315] : memref<1024xi32, #tpu.memory_space<vmem>> -> memref<16xi32, #tpu.memory_space<vmem>>
      %dma_start3A_322 = arith.constant 0 : i32
      %dma_start3A_323 = arith.constant 0 : i32
      %dma_start3A_324 = tpu.memref_slice %arg2[%dma_start3A_322, %dma_start3A_323] : memref<32064x2048xf32, #tpu.memory_space<hbm>> -> memref<32064x2048xf32, #tpu.memory_space<hbm>>
      tpu.enqueue_indirect_dma source(%dma_start3A_324 : memref<32064x2048xf32, #tpu.memory_space<hbm>>) target(%dma_start3A_320 : memref<16x2048xf32, #tpu.memory_space<vmem>>) offsets(%dma_start3A_321 : memref<16xi32, #tpu.memory_space<vmem>>) semaphore(%arg8 : memref<!tpu.dma_semaphore, #tpu.memory_space<semaphore_mem>>)
      %mul3A_325 = arith.constant 16 : i32
      %mul3A_326 = arith.muli %add3A_291, %mul3A_325 : i32
      %multiple_of3A_327 = tpu.assume_multiple %mul3A_326, 8 : i32
      %dma_wait3A_328 = arith.constant 2 : i32
      %dma_wait3A_329 = arith.constant 0 : i32
      %dma_wait3A_330 = arith.constant 0 : i32
      %dma_wait3A_331 = tpu.memref_slice %arg6[%dma_wait3A_328, %dma_wait3A_329, %dma_wait3A_330] : memref<3x16x2048xf32, #tpu.memory_space<vmem>> -> memref<1x16x2048xf32, #tpu.memory_space<vmem>>
      %dma_wait3A_332 = tpu.memref_squeeze %dma_wait3A_331 : memref<1x16x2048xf32, #tpu.memory_space<vmem>> -> memref<16x2048xf32, #tpu.memory_space<vmem>>
      %dma_wait3A_333 = tpu.memref_slice %arg5[%multiple_of3A_327] : memref<1024xi32, #tpu.memory_space<vmem>> -> memref<16xi32, #tpu.memory_space<vmem>>
      %dma_wait3A_334 = arith.constant 0 : i32
      %dma_wait3A_335 = arith.constant 0 : i32
      %dma_wait3A_336 = tpu.memref_slice %arg2[%dma_wait3A_334, %dma_wait3A_335] : memref<32064x2048xf32, #tpu.memory_space<hbm>> -> memref<32064x2048xf32, #tpu.memory_space<hbm>>
      tpu.wait_indirect_dma semaphore(%arg9 : memref<!tpu.dma_semaphore, #tpu.memory_space<semaphore_mem>>) src(%dma_wait3A_336 : memref<32064x2048xf32, #tpu.memory_space<hbm>>) dst(%dma_wait3A_332 : memref<16x2048xf32, #tpu.memory_space<vmem>>)
      %mul3A_337 = arith.constant 16 : i32
      %mul3A_338 = arith.muli %add3A_291, %mul3A_337 : i32
      %add3A_339 = arith.addi %multiple_of3A, %mul3A_338 : i32
      %multiple_of3A_340 = tpu.assume_multiple %add3A_339, 8 : i32
      %dma_start3A_341 = arith.constant 2 : i32
      %dma_start3A_342 = arith.constant 0 : i32
      %dma_start3A_343 = arith.constant 0 : i32
      %dma_start3A_344 = tpu.memref_slice %arg6[%dma_start3A_341, %dma_start3A_342, %dma_start3A_343] : memref<3x16x2048xf32, #tpu.memory_space<vmem>> -> memref<1x16x2048xf32, #tpu.memory_space<vmem>>
      %dma_start3A_345 = tpu.memref_squeeze %dma_start3A_344 : memref<1x16x2048xf32, #tpu.memory_space<vmem>> -> memref<16x2048xf32, #tpu.memory_space<vmem>>
      %dma_start3A_346 = arith.constant 0 : i32
      %dma_start3A_347 = tpu.memref_slice %arg4[%multiple_of3A_340, %dma_start3A_346] : memref<32768x2048xf32, #tpu.memory_space<hbm>> -> memref<16x2048xf32, #tpu.memory_space<hbm>>
      %dma_start3A_348 = arith.constant 0 : i32
      %dma_start3A_349 = tpu.memref_slice %arg4[%multiple_of3A_340, %dma_start3A_348] : memref<32768x2048xf32, #tpu.memory_space<hbm>> -> memref<16x2048xf32, #tpu.memory_space<hbm>>
      %dma_start3A_350 = arith.constant 0 : i32
      %dma_start3A_351 = arith.constant 0 : i32
      %dma_start3A_352 = tpu.memref_slice %arg6[%dma_start3A_341, %dma_start3A_350, %dma_start3A_351] : memref<3x16x2048xf32, #tpu.memory_space<vmem>> -> memref<1x16x2048xf32, #tpu.memory_space<vmem>>
      %dma_start3A_353 = tpu.memref_squeeze %dma_start3A_352 : memref<1x16x2048xf32, #tpu.memory_space<vmem>> -> memref<16x2048xf32, #tpu.memory_space<vmem>>
      tpu.enqueue_dma source(%dma_start3A_353 : memref<16x2048xf32, #tpu.memory_space<vmem>>) target(%dma_start3A_349 : memref<16x2048xf32, #tpu.memory_space<hbm>>) target_semaphore(%arg12 : memref<!tpu.dma_semaphore, #tpu.memory_space<semaphore_mem>>)
      %add3A_354 = arith.constant 2 : i32
      %add3A_355 = arith.addi %add3A_226, %add3A_354 : i32
      %sub3A_356 = arith.constant 1 : i32
      %sub3A_357 = arith.subi %add3A_355, %sub3A_356 : i32
      %mul3A_358 = arith.constant 16 : i32
      %mul3A_359 = arith.muli %sub3A_357, %mul3A_358 : i32
      %add3A_360 = arith.addi %multiple_of3A, %mul3A_359 : i32
      %multiple_of3A_361 = tpu.assume_multiple %add3A_360, 8 : i32
      %dma_wait3A_362 = arith.constant 2 : i32
      %dma_wait3A_363 = arith.constant 0 : i32
      %dma_wait3A_364 = arith.constant 0 : i32
      %dma_wait3A_365 = tpu.memref_slice %arg6[%dma_wait3A_362, %dma_wait3A_363, %dma_wait3A_364] : memref<3x16x2048xf32, #tpu.memory_space<vmem>> -> memref<1x16x2048xf32, #tpu.memory_space<vmem>>
      %dma_wait3A_366 = tpu.memref_squeeze %dma_wait3A_365 : memref<1x16x2048xf32, #tpu.memory_space<vmem>> -> memref<16x2048xf32, #tpu.memory_space<vmem>>
      %dma_wait3A_367 = arith.constant 0 : i32
      %dma_wait3A_368 = tpu.memref_slice %arg4[%multiple_of3A_361, %dma_wait3A_367] : memref<32768x2048xf32, #tpu.memory_space<hbm>> -> memref<16x2048xf32, #tpu.memory_space<hbm>>
      %dma_wait3A_369 = arith.constant 0 : i32
      %dma_wait3A_370 = tpu.memref_slice %arg4[%multiple_of3A_361, %dma_wait3A_369] : memref<32768x2048xf32, #tpu.memory_space<hbm>> -> memref<16x2048xf32, #tpu.memory_space<hbm>>
      %dma_wait3A_371 = arith.constant 0 : i32
      %dma_wait3A_372 = arith.constant 0 : i32
      %dma_wait3A_373 = tpu.memref_slice %arg6[%dma_wait3A_362, %dma_wait3A_371, %dma_wait3A_372] : memref<3x16x2048xf32, #tpu.memory_space<vmem>> -> memref<1x16x2048xf32, #tpu.memory_space<vmem>>
      %dma_wait3A_374 = tpu.memref_squeeze %dma_wait3A_373 : memref<1x16x2048xf32, #tpu.memory_space<vmem>> -> memref<16x2048xf32, #tpu.memory_space<vmem>>
      tpu.wait_dma2 semaphore(%arg12 : memref<!tpu.dma_semaphore, #tpu.memory_space<semaphore_mem>>) src(%dma_wait3A_374 : memref<16x2048xf32, #tpu.memory_space<vmem>>) dst(%dma_wait3A_370 : memref<16x2048xf32, #tpu.memory_space<hbm>>)
      %add3A_375 = arith.constant 2 : i32
      %add3A_376 = arith.addi %add3A_355, %add3A_375 : i32
      %mul3A_377 = arith.constant 16 : i32
      %mul3A_378 = arith.muli %add3A_376, %mul3A_377 : i32
      %multiple_of3A_379 = tpu.assume_multiple %mul3A_378, 8 : i32
      %dma_start3A_380 = arith.constant 2 : i32
      %dma_start3A_381 = arith.constant 0 : i32
      %dma_start3A_382 = arith.constant 0 : i32
      %dma_start3A_383 = tpu.memref_slice %arg6[%dma_start3A_380, %dma_start3A_381, %dma_start3A_382] : memref<3x16x2048xf32, #tpu.memory_space<vmem>> -> memref<1x16x2048xf32, #tpu.memory_space<vmem>>
      %dma_start3A_384 = tpu.memref_squeeze %dma_start3A_383 : memref<1x16x2048xf32, #tpu.memory_space<vmem>> -> memref<16x2048xf32, #tpu.memory_space<vmem>>
      %dma_start3A_385 = tpu.memref_slice %arg5[%multiple_of3A_379] : memref<1024xi32, #tpu.memory_space<vmem>> -> memref<16xi32, #tpu.memory_space<vmem>>
      %dma_start3A_386 = arith.constant 0 : i32
      %dma_start3A_387 = arith.constant 0 : i32
      %dma_start3A_388 = tpu.memref_slice %arg2[%dma_start3A_386, %dma_start3A_387] : memref<32064x2048xf32, #tpu.memory_space<hbm>> -> memref<32064x2048xf32, #tpu.memory_space<hbm>>
      tpu.enqueue_indirect_dma source(%dma_start3A_388 : memref<32064x2048xf32, #tpu.memory_space<hbm>>) target(%dma_start3A_384 : memref<16x2048xf32, #tpu.memory_space<vmem>>) offsets(%dma_start3A_385 : memref<16xi32, #tpu.memory_space<vmem>>) semaphore(%arg9 : memref<!tpu.dma_semaphore, #tpu.memory_space<semaphore_mem>>)
      %mul3A_389 = arith.constant 16 : i32
      %mul3A_390 = arith.muli %add3A_355, %mul3A_389 : i32
      %multiple_of3A_391 = tpu.assume_multiple %mul3A_390, 8 : i32
      %dma_wait3A_392 = arith.constant 0 : i32
      %dma_wait3A_393 = arith.constant 0 : i32
      %dma_wait3A_394 = arith.constant 0 : i32
      %dma_wait3A_395 = tpu.memref_slice %arg6[%dma_wait3A_392, %dma_wait3A_393, %dma_wait3A_394] : memref<3x16x2048xf32, #tpu.memory_space<vmem>> -> memref<1x16x2048xf32, #tpu.memory_space<vmem>>
      %dma_wait3A_396 = tpu.memref_squeeze %dma_wait3A_395 : memref<1x16x2048xf32, #tpu.memory_space<vmem>> -> memref<16x2048xf32, #tpu.memory_space<vmem>>
      %dma_wait3A_397 = tpu.memref_slice %arg5[%multiple_of3A_391] : memref<1024xi32, #tpu.memory_space<vmem>> -> memref<16xi32, #tpu.memory_space<vmem>>
      %dma_wait3A_398 = arith.constant 0 : i32
      %dma_wait3A_399 = arith.constant 0 : i32
      %dma_wait3A_400 = tpu.memref_slice %arg2[%dma_wait3A_398, %dma_wait3A_399] : memref<32064x2048xf32, #tpu.memory_space<hbm>> -> memref<32064x2048xf32, #tpu.memory_space<hbm>>
      tpu.wait_indirect_dma semaphore(%arg7 : memref<!tpu.dma_semaphore, #tpu.memory_space<semaphore_mem>>) src(%dma_wait3A_400 : memref<32064x2048xf32, #tpu.memory_space<hbm>>) dst(%dma_wait3A_396 : memref<16x2048xf32, #tpu.memory_space<vmem>>)
      %mul3A_401 = arith.constant 16 : i32
      %mul3A_402 = arith.muli %add3A_355, %mul3A_401 : i32
      %add3A_403 = arith.addi %multiple_of3A, %mul3A_402 : i32
      %multiple_of3A_404 = tpu.assume_multiple %add3A_403, 8 : i32
      %dma_start3A_405 = arith.constant 0 : i32
      %dma_start3A_406 = arith.constant 0 : i32
      %dma_start3A_407 = arith.constant 0 : i32
      %dma_start3A_408 = tpu.memref_slice %arg6[%dma_start3A_405, %dma_start3A_406, %dma_start3A_407] : memref<3x16x2048xf32, #tpu.memory_space<vmem>> -> memref<1x16x2048xf32, #tpu.memory_space<vmem>>
      %dma_start3A_409 = tpu.memref_squeeze %dma_start3A_408 : memref<1x16x2048xf32, #tpu.memory_space<vmem>> -> memref<16x2048xf32, #tpu.memory_space<vmem>>
      %dma_start3A_410 = arith.constant 0 : i32
      %dma_start3A_411 = tpu.memref_slice %arg4[%multiple_of3A_404, %dma_start3A_410] : memref<32768x2048xf32, #tpu.memory_space<hbm>> -> memref<16x2048xf32, #tpu.memory_space<hbm>>
      %dma_start3A_412 = arith.constant 0 : i32
      %dma_start3A_413 = tpu.memref_slice %arg4[%multiple_of3A_404, %dma_start3A_412] : memref<32768x2048xf32, #tpu.memory_space<hbm>> -> memref<16x2048xf32, #tpu.memory_space<hbm>>
      %dma_start3A_414 = arith.constant 0 : i32
      %dma_start3A_415 = arith.constant 0 : i32
      %dma_start3A_416 = tpu.memref_slice %arg6[%dma_start3A_405, %dma_start3A_414, %dma_start3A_415] : memref<3x16x2048xf32, #tpu.memory_space<vmem>> -> memref<1x16x2048xf32, #tpu.memory_space<vmem>>
      %dma_start3A_417 = tpu.memref_squeeze %dma_start3A_416 : memref<1x16x2048xf32, #tpu.memory_space<vmem>> -> memref<16x2048xf32, #tpu.memory_space<vmem>>
      tpu.enqueue_dma source(%dma_start3A_417 : memref<16x2048xf32, #tpu.memory_space<vmem>>) target(%dma_start3A_413 : memref<16x2048xf32, #tpu.memory_space<hbm>>) target_semaphore(%arg10 : memref<!tpu.dma_semaphore, #tpu.memory_space<semaphore_mem>>)
    }
    %scan3A_65 = arith.constant 20 : i32
    %add3A_66 = arith.constant 960 : i32
    %add3A_67 = arith.addi %multiple_of3A, %add3A_66 : i32
    %multiple_of3A_68 = tpu.assume_multiple %add3A_67, 8 : i32
    %dma_wait3A_69 = arith.constant 0 : i32
    %dma_wait3A_70 = arith.constant 0 : i32
    %dma_wait3A_71 = arith.constant 0 : i32
    %dma_wait3A_72 = tpu.memref_slice %arg6[%dma_wait3A_69, %dma_wait3A_70, %dma_wait3A_71] : memref<3x16x2048xf32, #tpu.memory_space<vmem>> -> memref<1x16x2048xf32, #tpu.memory_space<vmem>>
    %dma_wait3A_73 = tpu.memref_squeeze %dma_wait3A_72 : memref<1x16x2048xf32, #tpu.memory_space<vmem>> -> memref<16x2048xf32, #tpu.memory_space<vmem>>
    %dma_wait3A_74 = arith.constant 0 : i32
    %dma_wait3A_75 = tpu.memref_slice %arg4[%multiple_of3A_68, %dma_wait3A_74] : memref<32768x2048xf32, #tpu.memory_space<hbm>> -> memref<16x2048xf32, #tpu.memory_space<hbm>>
    %dma_wait3A_76 = arith.constant 0 : i32
    %dma_wait3A_77 = tpu.memref_slice %arg4[%multiple_of3A_68, %dma_wait3A_76] : memref<32768x2048xf32, #tpu.memory_space<hbm>> -> memref<16x2048xf32, #tpu.memory_space<hbm>>
    %dma_wait3A_78 = arith.constant 0 : i32
    %dma_wait3A_79 = arith.constant 0 : i32
    %dma_wait3A_80 = tpu.memref_slice %arg6[%dma_wait3A_69, %dma_wait3A_78, %dma_wait3A_79] : memref<3x16x2048xf32, #tpu.memory_space<vmem>> -> memref<1x16x2048xf32, #tpu.memory_space<vmem>>
    %dma_wait3A_81 = tpu.memref_squeeze %dma_wait3A_80 : memref<1x16x2048xf32, #tpu.memory_space<vmem>> -> memref<16x2048xf32, #tpu.memory_space<vmem>>
    tpu.wait_dma2 semaphore(%arg10 : memref<!tpu.dma_semaphore, #tpu.memory_space<semaphore_mem>>) src(%dma_wait3A_81 : memref<16x2048xf32, #tpu.memory_space<vmem>>) dst(%dma_wait3A_77 : memref<16x2048xf32, #tpu.memory_space<hbm>>)
    %multiple_of3A_82 = arith.constant 1008 : i32
    %multiple_of3A_83 = tpu.assume_multiple %multiple_of3A_82, 8 : i32
    %dma_start3A_84 = arith.constant 0 : i32
    %dma_start3A_85 = arith.constant 0 : i32
    %dma_start3A_86 = arith.constant 0 : i32
    %dma_start3A_87 = tpu.memref_slice %arg6[%dma_start3A_84, %dma_start3A_85, %dma_start3A_86] : memref<3x16x2048xf32, #tpu.memory_space<vmem>> -> memref<1x16x2048xf32, #tpu.memory_space<vmem>>
    %dma_start3A_88 = tpu.memref_squeeze %dma_start3A_87 : memref<1x16x2048xf32, #tpu.memory_space<vmem>> -> memref<16x2048xf32, #tpu.memory_space<vmem>>
    %dma_start3A_89 = tpu.memref_slice %arg5[%multiple_of3A_83] : memref<1024xi32, #tpu.memory_space<vmem>> -> memref<16xi32, #tpu.memory_space<vmem>>
    %dma_start3A_90 = arith.constant 0 : i32
    %dma_start3A_91 = arith.constant 0 : i32
    %dma_start3A_92 = tpu.memref_slice %arg2[%dma_start3A_90, %dma_start3A_91] : memref<32064x2048xf32, #tpu.memory_space<hbm>> -> memref<32064x2048xf32, #tpu.memory_space<hbm>>
    tpu.enqueue_indirect_dma source(%dma_start3A_92 : memref<32064x2048xf32, #tpu.memory_space<hbm>>) target(%dma_start3A_88 : memref<16x2048xf32, #tpu.memory_space<vmem>>) offsets(%dma_start3A_89 : memref<16xi32, #tpu.memory_space<vmem>>) semaphore(%arg7 : memref<!tpu.dma_semaphore, #tpu.memory_space<semaphore_mem>>)
    %multiple_of3A_93 = arith.constant 976 : i32
    %multiple_of3A_94 = tpu.assume_multiple %multiple_of3A_93, 8 : i32
    %dma_wait3A_95 = arith.constant 1 : i32
    %dma_wait3A_96 = arith.constant 0 : i32
    %dma_wait3A_97 = arith.constant 0 : i32
    %dma_wait3A_98 = tpu.memref_slice %arg6[%dma_wait3A_95, %dma_wait3A_96, %dma_wait3A_97] : memref<3x16x2048xf32, #tpu.memory_space<vmem>> -> memref<1x16x2048xf32, #tpu.memory_space<vmem>>
    %dma_wait3A_99 = tpu.memref_squeeze %dma_wait3A_98 : memref<1x16x2048xf32, #tpu.memory_space<vmem>> -> memref<16x2048xf32, #tpu.memory_space<vmem>>
    %dma_wait3A_100 = tpu.memref_slice %arg5[%multiple_of3A_94] : memref<1024xi32, #tpu.memory_space<vmem>> -> memref<16xi32, #tpu.memory_space<vmem>>
    %dma_wait3A_101 = arith.constant 0 : i32
    %dma_wait3A_102 = arith.constant 0 : i32
    %dma_wait3A_103 = tpu.memref_slice %arg2[%dma_wait3A_101, %dma_wait3A_102] : memref<32064x2048xf32, #tpu.memory_space<hbm>> -> memref<32064x2048xf32, #tpu.memory_space<hbm>>
    tpu.wait_indirect_dma semaphore(%arg8 : memref<!tpu.dma_semaphore, #tpu.memory_space<semaphore_mem>>) src(%dma_wait3A_103 : memref<32064x2048xf32, #tpu.memory_space<hbm>>) dst(%dma_wait3A_99 : memref<16x2048xf32, #tpu.memory_space<vmem>>)
    %add3A_104 = arith.constant 976 : i32
    %add3A_105 = arith.addi %multiple_of3A, %add3A_104 : i32
    %multiple_of3A_106 = tpu.assume_multiple %add3A_105, 8 : i32
    %dma_start3A_107 = arith.constant 1 : i32
    %dma_start3A_108 = arith.constant 0 : i32
    %dma_start3A_109 = arith.constant 0 : i32
    %dma_start3A_110 = tpu.memref_slice %arg6[%dma_start3A_107, %dma_start3A_108, %dma_start3A_109] : memref<3x16x2048xf32, #tpu.memory_space<vmem>> -> memref<1x16x2048xf32, #tpu.memory_space<vmem>>
    %dma_start3A_111 = tpu.memref_squeeze %dma_start3A_110 : memref<1x16x2048xf32, #tpu.memory_space<vmem>> -> memref<16x2048xf32, #tpu.memory_space<vmem>>
    %dma_start3A_112 = arith.constant 0 : i32
    %dma_start3A_113 = tpu.memref_slice %arg4[%multiple_of3A_106, %dma_start3A_112] : memref<32768x2048xf32, #tpu.memory_space<hbm>> -> memref<16x2048xf32, #tpu.memory_space<hbm>>
    %dma_start3A_114 = arith.constant 0 : i32
    %dma_start3A_115 = tpu.memref_slice %arg4[%multiple_of3A_106, %dma_start3A_114] : memref<32768x2048xf32, #tpu.memory_space<hbm>> -> memref<16x2048xf32, #tpu.memory_space<hbm>>
    %dma_start3A_116 = arith.constant 0 : i32
    %dma_start3A_117 = arith.constant 0 : i32
    %dma_start3A_118 = tpu.memref_slice %arg6[%dma_start3A_107, %dma_start3A_116, %dma_start3A_117] : memref<3x16x2048xf32, #tpu.memory_space<vmem>> -> memref<1x16x2048xf32, #tpu.memory_space<vmem>>
    %dma_start3A_119 = tpu.memref_squeeze %dma_start3A_118 : memref<1x16x2048xf32, #tpu.memory_space<vmem>> -> memref<16x2048xf32, #tpu.memory_space<vmem>>
    tpu.enqueue_dma source(%dma_start3A_119 : memref<16x2048xf32, #tpu.memory_space<vmem>>) target(%dma_start3A_115 : memref<16x2048xf32, #tpu.memory_space<hbm>>) target_semaphore(%arg11 : memref<!tpu.dma_semaphore, #tpu.memory_space<semaphore_mem>>)
    %add3A_120 = arith.constant 976 : i32
    %add3A_121 = arith.addi %multiple_of3A, %add3A_120 : i32
    %multiple_of3A_122 = tpu.assume_multiple %add3A_121, 8 : i32
    %dma_wait3A_123 = arith.constant 1 : i32
    %dma_wait3A_124 = arith.constant 0 : i32
    %dma_wait3A_125 = arith.constant 0 : i32
    %dma_wait3A_126 = tpu.memref_slice %arg6[%dma_wait3A_123, %dma_wait3A_124, %dma_wait3A_125] : memref<3x16x2048xf32, #tpu.memory_space<vmem>> -> memref<1x16x2048xf32, #tpu.memory_space<vmem>>
    %dma_wait3A_127 = tpu.memref_squeeze %dma_wait3A_126 : memref<1x16x2048xf32, #tpu.memory_space<vmem>> -> memref<16x2048xf32, #tpu.memory_space<vmem>>
    %dma_wait3A_128 = arith.constant 0 : i32
    %dma_wait3A_129 = tpu.memref_slice %arg4[%multiple_of3A_122, %dma_wait3A_128] : memref<32768x2048xf32, #tpu.memory_space<hbm>> -> memref<16x2048xf32, #tpu.memory_space<hbm>>
    %dma_wait3A_130 = arith.constant 0 : i32
    %dma_wait3A_131 = tpu.memref_slice %arg4[%multiple_of3A_122, %dma_wait3A_130] : memref<32768x2048xf32, #tpu.memory_space<hbm>> -> memref<16x2048xf32, #tpu.memory_space<hbm>>
    %dma_wait3A_132 = arith.constant 0 : i32
    %dma_wait3A_133 = arith.constant 0 : i32
    %dma_wait3A_134 = tpu.memref_slice %arg6[%dma_wait3A_123, %dma_wait3A_132, %dma_wait3A_133] : memref<3x16x2048xf32, #tpu.memory_space<vmem>> -> memref<1x16x2048xf32, #tpu.memory_space<vmem>>
    %dma_wait3A_135 = tpu.memref_squeeze %dma_wait3A_134 : memref<1x16x2048xf32, #tpu.memory_space<vmem>> -> memref<16x2048xf32, #tpu.memory_space<vmem>>
    tpu.wait_dma2 semaphore(%arg11 : memref<!tpu.dma_semaphore, #tpu.memory_space<semaphore_mem>>) src(%dma_wait3A_135 : memref<16x2048xf32, #tpu.memory_space<vmem>>) dst(%dma_wait3A_131 : memref<16x2048xf32, #tpu.memory_space<hbm>>)
    %multiple_of3A_136 = arith.constant 992 : i32
    %multiple_of3A_137 = tpu.assume_multiple %multiple_of3A_136, 8 : i32
    %dma_wait3A_138 = arith.constant 2 : i32
    %dma_wait3A_139 = arith.constant 0 : i32
    %dma_wait3A_140 = arith.constant 0 : i32
    %dma_wait3A_141 = tpu.memref_slice %arg6[%dma_wait3A_138, %dma_wait3A_139, %dma_wait3A_140] : memref<3x16x2048xf32, #tpu.memory_space<vmem>> -> memref<1x16x2048xf32, #tpu.memory_space<vmem>>
    %dma_wait3A_142 = tpu.memref_squeeze %dma_wait3A_141 : memref<1x16x2048xf32, #tpu.memory_space<vmem>> -> memref<16x2048xf32, #tpu.memory_space<vmem>>
    %dma_wait3A_143 = tpu.memref_slice %arg5[%multiple_of3A_137] : memref<1024xi32, #tpu.memory_space<vmem>> -> memref<16xi32, #tpu.memory_space<vmem>>
    %dma_wait3A_144 = arith.constant 0 : i32
    %dma_wait3A_145 = arith.constant 0 : i32
    %dma_wait3A_146 = tpu.memref_slice %arg2[%dma_wait3A_144, %dma_wait3A_145] : memref<32064x2048xf32, #tpu.memory_space<hbm>> -> memref<32064x2048xf32, #tpu.memory_space<hbm>>
    tpu.wait_indirect_dma semaphore(%arg9 : memref<!tpu.dma_semaphore, #tpu.memory_space<semaphore_mem>>) src(%dma_wait3A_146 : memref<32064x2048xf32, #tpu.memory_space<hbm>>) dst(%dma_wait3A_142 : memref<16x2048xf32, #tpu.memory_space<vmem>>)
    %add3A_147 = arith.constant 992 : i32
    %add3A_148 = arith.addi %multiple_of3A, %add3A_147 : i32
    %multiple_of3A_149 = tpu.assume_multiple %add3A_148, 8 : i32
    %dma_start3A_150 = arith.constant 2 : i32
    %dma_start3A_151 = arith.constant 0 : i32
    %dma_start3A_152 = arith.constant 0 : i32
    %dma_start3A_153 = tpu.memref_slice %arg6[%dma_start3A_150, %dma_start3A_151, %dma_start3A_152] : memref<3x16x2048xf32, #tpu.memory_space<vmem>> -> memref<1x16x2048xf32, #tpu.memory_space<vmem>>
    %dma_start3A_154 = tpu.memref_squeeze %dma_start3A_153 : memref<1x16x2048xf32, #tpu.memory_space<vmem>> -> memref<16x2048xf32, #tpu.memory_space<vmem>>
    %dma_start3A_155 = arith.constant 0 : i32
    %dma_start3A_156 = tpu.memref_slice %arg4[%multiple_of3A_149, %dma_start3A_155] : memref<32768x2048xf32, #tpu.memory_space<hbm>> -> memref<16x2048xf32, #tpu.memory_space<hbm>>
    %dma_start3A_157 = arith.constant 0 : i32
    %dma_start3A_158 = tpu.memref_slice %arg4[%multiple_of3A_149, %dma_start3A_157] : memref<32768x2048xf32, #tpu.memory_space<hbm>> -> memref<16x2048xf32, #tpu.memory_space<hbm>>
    %dma_start3A_159 = arith.constant 0 : i32
    %dma_start3A_160 = arith.constant 0 : i32
    %dma_start3A_161 = tpu.memref_slice %arg6[%dma_start3A_150, %dma_start3A_159, %dma_start3A_160] : memref<3x16x2048xf32, #tpu.memory_space<vmem>> -> memref<1x16x2048xf32, #tpu.memory_space<vmem>>
    %dma_start3A_162 = tpu.memref_squeeze %dma_start3A_161 : memref<1x16x2048xf32, #tpu.memory_space<vmem>> -> memref<16x2048xf32, #tpu.memory_space<vmem>>
    tpu.enqueue_dma source(%dma_start3A_162 : memref<16x2048xf32, #tpu.memory_space<vmem>>) target(%dma_start3A_158 : memref<16x2048xf32, #tpu.memory_space<hbm>>) target_semaphore(%arg12 : memref<!tpu.dma_semaphore, #tpu.memory_space<semaphore_mem>>)
    %add3A_163 = arith.constant 992 : i32
    %add3A_164 = arith.addi %multiple_of3A, %add3A_163 : i32
    %multiple_of3A_165 = tpu.assume_multiple %add3A_164, 8 : i32
    %dma_wait3A_166 = arith.constant 2 : i32
    %dma_wait3A_167 = arith.constant 0 : i32
    %dma_wait3A_168 = arith.constant 0 : i32
    %dma_wait3A_169 = tpu.memref_slice %arg6[%dma_wait3A_166, %dma_wait3A_167, %dma_wait3A_168] : memref<3x16x2048xf32, #tpu.memory_space<vmem>> -> memref<1x16x2048xf32, #tpu.memory_space<vmem>>
    %dma_wait3A_170 = tpu.memref_squeeze %dma_wait3A_169 : memref<1x16x2048xf32, #tpu.memory_space<vmem>> -> memref<16x2048xf32, #tpu.memory_space<vmem>>
    %dma_wait3A_171 = arith.constant 0 : i32
    %dma_wait3A_172 = tpu.memref_slice %arg4[%multiple_of3A_165, %dma_wait3A_171] : memref<32768x2048xf32, #tpu.memory_space<hbm>> -> memref<16x2048xf32, #tpu.memory_space<hbm>>
    %dma_wait3A_173 = arith.constant 0 : i32
    %dma_wait3A_174 = tpu.memref_slice %arg4[%multiple_of3A_165, %dma_wait3A_173] : memref<32768x2048xf32, #tpu.memory_space<hbm>> -> memref<16x2048xf32, #tpu.memory_space<hbm>>
    %dma_wait3A_175 = arith.constant 0 : i32
    %dma_wait3A_176 = arith.constant 0 : i32
    %dma_wait3A_177 = tpu.memref_slice %arg6[%dma_wait3A_166, %dma_wait3A_175, %dma_wait3A_176] : memref<3x16x2048xf32, #tpu.memory_space<vmem>> -> memref<1x16x2048xf32, #tpu.memory_space<vmem>>
    %dma_wait3A_178 = tpu.memref_squeeze %dma_wait3A_177 : memref<1x16x2048xf32, #tpu.memory_space<vmem>> -> memref<16x2048xf32, #tpu.memory_space<vmem>>
    tpu.wait_dma2 semaphore(%arg12 : memref<!tpu.dma_semaphore, #tpu.memory_space<semaphore_mem>>) src(%dma_wait3A_178 : memref<16x2048xf32, #tpu.memory_space<vmem>>) dst(%dma_wait3A_174 : memref<16x2048xf32, #tpu.memory_space<hbm>>)
    %multiple_of3A_179 = arith.constant 1008 : i32
    %multiple_of3A_180 = tpu.assume_multiple %multiple_of3A_179, 8 : i32
    %dma_wait3A_181 = arith.constant 0 : i32
    %dma_wait3A_182 = arith.constant 0 : i32
    %dma_wait3A_183 = arith.constant 0 : i32
    %dma_wait3A_184 = tpu.memref_slice %arg6[%dma_wait3A_181, %dma_wait3A_182, %dma_wait3A_183] : memref<3x16x2048xf32, #tpu.memory_space<vmem>> -> memref<1x16x2048xf32, #tpu.memory_space<vmem>>
    %dma_wait3A_185 = tpu.memref_squeeze %dma_wait3A_184 : memref<1x16x2048xf32, #tpu.memory_space<vmem>> -> memref<16x2048xf32, #tpu.memory_space<vmem>>
    %dma_wait3A_186 = tpu.memref_slice %arg5[%multiple_of3A_180] : memref<1024xi32, #tpu.memory_space<vmem>> -> memref<16xi32, #tpu.memory_space<vmem>>
    %dma_wait3A_187 = arith.constant 0 : i32
    %dma_wait3A_188 = arith.constant 0 : i32
    %dma_wait3A_189 = tpu.memref_slice %arg2[%dma_wait3A_187, %dma_wait3A_188] : memref<32064x2048xf32, #tpu.memory_space<hbm>> -> memref<32064x2048xf32, #tpu.memory_space<hbm>>
    tpu.wait_indirect_dma semaphore(%arg7 : memref<!tpu.dma_semaphore, #tpu.memory_space<semaphore_mem>>) src(%dma_wait3A_189 : memref<32064x2048xf32, #tpu.memory_space<hbm>>) dst(%dma_wait3A_185 : memref<16x2048xf32, #tpu.memory_space<vmem>>)
    %add3A_190 = arith.constant 1008 : i32
    %add3A_191 = arith.addi %multiple_of3A, %add3A_190 : i32
    %multiple_of3A_192 = tpu.assume_multiple %add3A_191, 8 : i32
    %dma_start3A_193 = arith.constant 0 : i32
    %dma_start3A_194 = arith.constant 0 : i32
    %dma_start3A_195 = arith.constant 0 : i32
    %dma_start3A_196 = tpu.memref_slice %arg6[%dma_start3A_193, %dma_start3A_194, %dma_start3A_195] : memref<3x16x2048xf32, #tpu.memory_space<vmem>> -> memref<1x16x2048xf32, #tpu.memory_space<vmem>>
    %dma_start3A_197 = tpu.memref_squeeze %dma_start3A_196 : memref<1x16x2048xf32, #tpu.memory_space<vmem>> -> memref<16x2048xf32, #tpu.memory_space<vmem>>
    %dma_start3A_198 = arith.constant 0 : i32
    %dma_start3A_199 = tpu.memref_slice %arg4[%multiple_of3A_192, %dma_start3A_198] : memref<32768x2048xf32, #tpu.memory_space<hbm>> -> memref<16x2048xf32, #tpu.memory_space<hbm>>
    %dma_start3A_200 = arith.constant 0 : i32
    %dma_start3A_201 = tpu.memref_slice %arg4[%multiple_of3A_192, %dma_start3A_200] : memref<32768x2048xf32, #tpu.memory_space<hbm>> -> memref<16x2048xf32, #tpu.memory_space<hbm>>
    %dma_start3A_202 = arith.constant 0 : i32
    %dma_start3A_203 = arith.constant 0 : i32
    %dma_start3A_204 = tpu.memref_slice %arg6[%dma_start3A_193, %dma_start3A_202, %dma_start3A_203] : memref<3x16x2048xf32, #tpu.memory_space<vmem>> -> memref<1x16x2048xf32, #tpu.memory_space<vmem>>
    %dma_start3A_205 = tpu.memref_squeeze %dma_start3A_204 : memref<1x16x2048xf32, #tpu.memory_space<vmem>> -> memref<16x2048xf32, #tpu.memory_space<vmem>>
    tpu.enqueue_dma source(%dma_start3A_205 : memref<16x2048xf32, #tpu.memory_space<vmem>>) target(%dma_start3A_201 : memref<16x2048xf32, #tpu.memory_space<hbm>>) target_semaphore(%arg10 : memref<!tpu.dma_semaphore, #tpu.memory_space<semaphore_mem>>)
    %add3A_206 = arith.constant 1008 : i32
    %add3A_207 = arith.addi %multiple_of3A, %add3A_206 : i32
    %multiple_of3A_208 = tpu.assume_multiple %add3A_207, 8 : i32
    %dma_wait3A_209 = arith.constant 0 : i32
    %dma_wait3A_210 = arith.constant 0 : i32
    %dma_wait3A_211 = arith.constant 0 : i32
    %dma_wait3A_212 = tpu.memref_slice %arg6[%dma_wait3A_209, %dma_wait3A_210, %dma_wait3A_211] : memref<3x16x2048xf32, #tpu.memory_space<vmem>> -> memref<1x16x2048xf32, #tpu.memory_space<vmem>>
    %dma_wait3A_213 = tpu.memref_squeeze %dma_wait3A_212 : memref<1x16x2048xf32, #tpu.memory_space<vmem>> -> memref<16x2048xf32, #tpu.memory_space<vmem>>
    %dma_wait3A_214 = arith.constant 0 : i32
    %dma_wait3A_215 = tpu.memref_slice %arg4[%multiple_of3A_208, %dma_wait3A_214] : memref<32768x2048xf32, #tpu.memory_space<hbm>> -> memref<16x2048xf32, #tpu.memory_space<hbm>>
    %dma_wait3A_216 = arith.constant 0 : i32
    %dma_wait3A_217 = tpu.memref_slice %arg4[%multiple_of3A_208, %dma_wait3A_216] : memref<32768x2048xf32, #tpu.memory_space<hbm>> -> memref<16x2048xf32, #tpu.memory_space<hbm>>
    %dma_wait3A_218 = arith.constant 0 : i32
    %dma_wait3A_219 = arith.constant 0 : i32
    %dma_wait3A_220 = tpu.memref_slice %arg6[%dma_wait3A_209, %dma_wait3A_218, %dma_wait3A_219] : memref<3x16x2048xf32, #tpu.memory_space<vmem>> -> memref<1x16x2048xf32, #tpu.memory_space<vmem>>
    %dma_wait3A_221 = tpu.memref_squeeze %dma_wait3A_220 : memref<1x16x2048xf32, #tpu.memory_space<vmem>> -> memref<16x2048xf32, #tpu.memory_space<vmem>>
    tpu.wait_dma2 semaphore(%arg10 : memref<!tpu.dma_semaphore, #tpu.memory_space<semaphore_mem>>) src(%dma_wait3A_221 : memref<16x2048xf32, #tpu.memory_space<vmem>>) dst(%dma_wait3A_217 : memref<16x2048xf32, #tpu.memory_space<hbm>>)
    return
  }
}

</mosaic_0001>

<sc_bundles>
// kernel: kernel.3.cloned.1.call-start
scs
__scs_entry_jumppad:
0x0: {  	(pc) =	sbr.rel $0x88, $3  }
0x1: {  	(tag) =	ssettag $0x0;
	lr =	simm.s32 $0x1  }
0x2: {  	[smem:$0x3F9F] =	sst lr;
	_ =	strace $0xD0000000  }
0x3: {  	_ = 	snop  }
0x4: {  	_ = 	snop  }
0x5: {  	_ = 	snop  }
0x6: {  	_ = 	snop  }
0x7: {  	_ = 	snop  }
__scs_overlays_trampoline_lowered:
0x8: {  	[smem:$0x3FAE] =	sst s0  }
0x9: {  	[smem:$0x3FAF] =	sst s1  }
0xa: {  	[smem:$0x3FB0] =	sst s2  }
0xb: {  	[smem:$0x3FB1] =	sst s3  }
0xc: {  	[smem:$0x3FB2] =	sst s4  }
0xd: {  	[smem:$0x3FB3] =	sst s5  }
0xe: {  	[smem:$0x3FB4] =	sst s6  }
0xf: {  	[smem:$0x3FB5] =	sst s7  }
0x10: {  	[smem:$0x3FB6] =	sst s8  }
0x11: {  	[smem:$0x3FB7] =	sst s9;
	s0 =	simm.s32 @!p0 $0x0  }
0x12: {  	s1 =	sld [smem:$0x3F9D];
	s0 =	simm.s32 @p0 $0x1  }
0x13: {  	[smem:$0x3FB8] =	sst s0;
	s0 =	simm.s32 @!p1 $0x0  }
0x14: {  	s2 =	sld [smem:$0x3F9C];
	s0 =	simm.s32 @p1 $0x1  }
0x15: {  	[smem:$0x3FB9] =	sst s0;
	s0 =	simm.s32 @!p2 $0x0  }
0x16: {  	s3 =	sld [smem:$0x3FDB];
	s0 =	simm.s32 @p2 $0x1  }
0x17: {  	s4 =	simm.s32 $0x1BF5;
	[smem:$0x3FBB] =	sst s0  }
0x18: {  	s0 =	sld [smem:$0x3F9E];
	_ =	swait.ge [sflag:s4], $0x0  }
0x19: {  	s7 =	sld [smem:$0x3F9F]  }
0x1a: {  	s8 =	sadd.s32 $0xFFFFE003, lr  }
0x1b: {  	s9 =	sadd.s32 $0xFFFFFEF7, lr;
	s5 =	simm.s32 $0xFFFFFFFF;
	p2 =	slt.u32 s8, $0xFFFFF086  }
0x1c: {  	p1 =	slt.u32 s9, $0xF7A;
	s5 =	simm.s32 @!p2 $0x0  }
0x1d: {  	s5 =	simm.s32 @p1 $0x1;
	p0 =	seq.s32 s7, s2  }
0x1e: {  	s7 =	smul.u32 @!p0 $0xF7A, s2;
	p2 =	seq.s32 @!p0 s5, $0x0  }
0x1f: {  	s9 =	smul.u32 $0xF7A, s1;
	s8 =	simm.s32 @!p0 $0x1BF5;
	p2 =	por !p2, p0  }
0x20: {  	[sflag:s8] =	ssyncset.s32 @!p0 $0xFFFFF086;
	s6 =	sadd.s32 @!p0 s3, s7;
	s7 =	simm.s32 @!p0 $0x108  }
0x21: {  	s3 =	sadd.s32 s3, s9;
	s6 =	sadd.s32 @!p0 $0x88, s6;
	s7 =	simm.s32 @p2 $0x1082  }
0x22: {  	[simem:s7], [sflag:s8] =	dma.local @!p0 [hbm:s6], $0xF7A  }
0x23: {  	s9 =	sor.u32 $0xD0000000, s2;
	s6 =	simm.s32 $0x108;
	_ =	swait.ge @!p0 [sflag:s8], $0x0  }
0x24: {  	s3 =	sadd.s32 $0x88, s3;
	s6 =	simm.s32 @!p1 $0x1082;
	[sflag:s4] =	ssyncset.s32 $0xFFFFF086  }
0x25: {  	[simem:s6], [sflag:s4] =	dma.local [hbm:s3], $0xF7A  }
0x26: {  	[smem:$0x3F9F] =	sst s1;
	(tag) =	ssettag s2;
	_ =	strace s9  }
0x27: {  	s1 =	sld [smem:$0x3FAF]  }
0x28: {  	s2 =	sld [smem:$0x3FB0]  }
0x29: {  	s4 =	sld [smem:$0x3FB2]  }
0x2a: {  	p0 =	seq.s32 s5, $0x0;
	s5 =	sld [smem:$0x3FB3]  }
0x2b: {  	s6 =	sld [smem:$0x3FB4]  }
0x2c: {  	s7 =	sld [smem:$0x3FB5]  }
0x2d: {  	s3 =	simm.s32 $0x108;
	s8 =	sld [smem:$0x3FB6]  }
0x2e: {  	s3 =	simm.s32 @!p0 $0x1082;
	s9 =	sld [smem:$0x3FB7]  }
0x2f: {  	lr =	sadd.s32 s0, s3;
	s0 =	sld [smem:$0x3FAE]  }
0x30: {  	s3 =	sld [smem:$0x3FB1]  }
0x31: {  	[smem:$0x3FBA] =	sst s10  }
0x32: {  	s10 =	sld [smem:$0x3FB8];
	_ =	sdelay $0x3  }
0x33: {  	p0 =	seq.s32 s10, $0x1;
	s10 =	sld [smem:$0x3FBA];
	_ =	sdelay $0x3  }
0x34: {  	[smem:$0x3FBA] =	sst s10  }
0x35: {  	s10 =	sld [smem:$0x3FB9];
	_ =	sdelay $0x3  }
0x36: {  	p1 =	seq.s32 s10, $0x1;
	s10 =	sld [smem:$0x3FBA];
	_ =	sdelay $0x3  }
0x37: {  	[smem:$0x3FBA] =	sst s10  }
0x38: {  	s10 =	sld [smem:$0x3FBB]  }
0x39: {  	_ = 	snop;
	(pc) =	sbr.ind lr, $3  }
0x3a: {  	_ = 	snop  }
0x3b: {  	_ = 	snop  }
0x3c: {  	p2 =	seq.s32 s10, $0x1;
	s10 =	sld [smem:$0x3FBA]  }
0x3d: {  	_ =	shalt  }
0x3e: {  	_ =	shalt  }
0x3f: {  	_ =	shalt  }
0x40: {  	_ =	shalt  }
0x41: {  	_ =	shalt  }
0x42: {  	_ =	shalt  }
0x43: {  	_ =	shalt  }
0x44: {  	_ =	shalt  }
0x45: {  	_ =	shalt  }
0x46: {  	_ =	shalt  }
0x47: {  	_ =	shalt  }
0x48: {  	_ =	shalt  }
0x49: {  	_ =	shalt  }
0x4a: {  	_ =	shalt  }
0x4b: {  	_ =	shalt  }
0x4c: {  	_ =	shalt  }
0x4d: {  	_ =	shalt  }
0x4e: {  	_ =	shalt  }
0x4f: {  	_ =	shalt  }
0x50: {  	_ =	shalt  }
0x51: {  	_ =	shalt  }
0x52: {  	_ =	shalt  }
0x53: {  	_ =	shalt  }
0x54: {  	_ =	shalt  }
0x55: {  	_ =	shalt  }
0x56: {  	_ =	shalt  }
0x57: {  	_ =	shalt  }
0x58: {  	_ =	shalt  }
0x59: {  	_ =	shalt  }
0x5a: {  	_ =	shalt  }
0x5b: {  	_ =	shalt  }
0x5c: {  	_ =	shalt  }
0x5d: {  	_ =	shalt  }
0x5e: {  	_ =	shalt  }
0x5f: {  	_ =	shalt  }
0x60: {  	_ =	shalt  }
0x61: {  	_ =	shalt  }
0x62: {  	_ =	shalt  }
0x63: {  	_ =	shalt  }
0x64: {  	_ =	shalt  }
0x65: {  	_ =	shalt  }
0x66: {  	_ =	shalt  }
0x67: {  	_ =	shalt  }
0x68: {  	_ =	shalt  }
0x69: {  	_ =	shalt  }
0x6a: {  	_ =	shalt  }
0x6b: {  	_ =	shalt  }
0x6c: {  	_ =	shalt  }
0x6d: {  	_ =	shalt  }
0x6e: {  	_ =	shalt  }
0x6f: {  	_ =	shalt  }
0x70: {  	_ =	shalt  }
0x71: {  	_ =	shalt  }
0x72: {  	_ =	shalt  }
0x73: {  	_ =	shalt  }
0x74: {  	_ =	shalt  }
0x75: {  	_ =	shalt  }
0x76: {  	_ =	shalt  }
0x77: {  	_ =	shalt  }
0x78: {  	_ =	shalt  }
0x79: {  	_ =	shalt  }
0x7a: {  	_ =	shalt  }
0x7b: {  	_ =	shalt  }
0x7c: {  	_ =	shalt  }
0x7d: {  	_ =	shalt  }
0x7e: {  	_ =	shalt  }
0x7f: {  	_ =	shalt  }
0x80: {  	_ =	shalt  }
0x81: {  	_ =	shalt  }
0x82: {  	_ =	shalt  }
0x83: {  	_ =	shalt  }
0x84: {  	_ =	shalt  }
0x85: {  	_ =	shalt  }
0x86: {  	_ =	shalt  }
0x87: {  	_ =	shalt  }
.Lfunc_end0:
.L_simem_size_0:
called_computation_lowered:
.L_overlay_start_0:
0x88: {  	s2 =	sld [smem:$0x3FD9]  }
0x89: {  	s3 =	sld [smem:$0x3FFE];
	_ =	sdelay $0x1  }
0x8a: {  	s1 =	srdreg.scid  }
0x8b: {  	s0 =	sand.u32 $0x1, s1  }
0x8c: {  	s14 =	sshll.u32 s0, $0xA;
	s2 =	sadd.s32 s3, s2  }
0x8d: {  	s2 =	sadd.s32 s2, s14  }
0x8e: {  	[smem:$0x3FC6] =	sst s2  }
0x8f: {  	_ = 	snop  }
0x90: {  	s2 =	sld [smem:$0x3FD0];
	_ =	sdelay $0x2  }
0x91: {  	s4 =	simm.s32 $0xA;
	s5 =	simm.s32 $0x10;
	s15 =	sld [smem:$0x3FC8]  }
0x92: {  	[smem:s5], [sflag:s4] =	dma.local [hbm:s2], $0x1  }
0x93: {  	_ =	swait.eq [sflag:s4], $0x1  }
0x94: {  	[sflag:s4] =	ssyncset.done $0x0  }
0x95: {  	[sflag:s4] =	ssyncadd.s32 $0xFFFFFFFF  }
0x96: {  	s16 =	sld [smem:$0x10];
	(tm) =	ssettm $0x1  }
0x97: {  	s17 =	sld [smem:$0x3FFB];
	_ =	sdelay $0x3  }
0x98: {  	_ =	strace s17  }
0x99: {  	s4 =	sld [smem:$0x3FFC];
	_ =	sdelay $0x3  }
0x9a: {  	_ =	strace s4  }
0x9b: {  	s4 =	sld [smem:$0x3FFD];
	_ =	sdelay $0x3  }
0x9c: {  	_ =	strace s4  }
0x9d: {  	_ =	strace $0x8FFFFFFF  }
0x9e: {  	s18 =	sld [smem:$0x3FDB];
	_ =	sdelay $0x1  }
0x9f: {  	s19 =	simm.s32 $_scs_section_size  }
0xa0: {  	s6 =	simm.s32 $_size__tile_overlayer_lowered;
	s7 =	simm.s32 $_tile_overlayer_lowered  }
0xa1: {  	s22 =	simm.s32 $0x1BFF;
	s21 =	sshll.u32 s7, $0x1;
	s4 =	sadd.s32 s19, s18  }
0xa2: {  	s8 =	simm.s32 $0x0;
	s20 =	sshll.u32 s6, $0x1;
	s6 =	sadd.s32 s21, s4  }
0xa3: {  	[timem:s8], [sflag:s22] =	dma.local [hbm:s6], s20  }
0xa4: {  	_ =	swait.ge [sflag:s22], s20  }
0xa5: {  	s5 =	ssub.s32 $0x0, s20;
	[sflag:s22] =	ssyncset.done $0x0  }
0xa6: {  	[sflag:s22] =	ssyncadd.s32 s5;
	_ =	sdelay $0x1  }
0xa7: {  	s23 =	simm.s32 $0x1B8B  }
0xa8: {  	_ =	swait.ge [sflag:s23], $0x1  }
0xa9: {  	[sflag:s23] =	ssyncset.done $0x0  }
0xaa: {  	s25 =	simm.s32 $0x1B8E;
	s24 =	sld [smem:$0x3FFE];
	[sflag:s23] =	ssyncadd.s32 $0xFFFFFFFF  }
0xab: {  	s26 =	simm.s32 $execute0_lowered;
	[smem:$0x3FD2] =	sst s25  }
0xac: {  	s6 =	sshll.u32 s26, $0x1;
	_ =	strace $0x80000046;
	[dreg:$0x1] =	wrdreg $0xFFFFFFFF  }
0xad: {  	s28 =	simm.s32 $_size_execute0_lowered;
	s4 =	sadd.s32 s4, s6;
	[dreg:$0x0] =	wrdreg $0x0  }
0xae: {  	s6 =	sshll.u32 s28, $0x1;
	[dreg:$0x2] =	wrdreg s4  }
0xaf: {  	[dreg:$0x3] =	wrdreg s6  }
0xb0: {  	[dreg:$0x4] =	wrdreg $0xC0  }
0xb1: {  	_ =	task [dreg:s8], $0x5FFFF  }
0xb2: {  	[dreg:$0x1] =	wrdreg $0xFFFFFFFF  }
0xb3: {  	[dreg:$0x0] =	wrdreg $0x60  }
0xb4: {  	[dreg:$0x2] =	wrdreg s15  }
0xb5: {  	[dreg:$0x3] =	wrdreg s24  }
0xb6: {  	[dreg:$0x4] =	wrdreg s16  }
0xb7: {  	[dreg:$0x5] =	wrdreg $0x9  }
0xb8: {  	_ =	task.clear_ibuf [dreg:s8], $0x6FFFF;
	_ =	strace $0x90000046  }
0xb9: {  	s29 =	simm.s32 $0x9;
	_ =	strace $0x80000048  }
0xba: {  	_ =	swait.ge [sflag:s29], $0x1  }
0xbb: {  	[sflag:s29] =	ssyncadd.s32 $0xFFFFFFFF  }
0xbc: {  	_ =	strace $0x90000048  }
0xbd: {  	_ =	sfence  }
0xbe: {  	s30 =	sld [smem:$0x0];
	_ =	sdelay $0x2  }
0xbf: {  	s31 =	sshll.u32 s1, $0xD;
	s1 =	sshrl.u32 s1, $0x2  }
0xc0: {  	s3 =	sand.u32 $0x4000, s31;
	s1 =	sadd.s32 s1, s30  }
0xc1: {  	s0 =	sor.u32 s3, s0;
	s1 =	sshll.u32 s1, $0x11  }
0xc2: {  	s0 =	sor.u32 s1, s0  }
0xc3: {  	s0 =	sadd.s32 $0x8F2B, s0  }
0xc4: {  	[sflag:s0] =	ssyncadd.remote.s32 $0x1  }
0xc5: {  	_ =	sfence.sel $0xFFFF  }
0xc6: {  	[dreg:$0x0] =	wrdreg $0xFFFFFFFF;
	(pc) =	sbr.abs _section_cstart, $3  }
0xc7: {  	[dreg:$0x1] =	wrdreg $0xFFFFFFFF  }
0xc8: {  	_ =	task.clear_ibuf [dreg:s8], $0x2FFFF;
	_ =	strace $0x9FFFFFFF  }
0xc9: {  	(tm) =	ssettm $0x7FFFFFFF  }
tec
execute0_lowered:
.L_overlay_start_1:
0x0: {  	(tag) =	ssettag $0x1  }
0x1: {  	s2 =	rddreg [dreg:$0x0]  }
0x2: {  	s0 =	rddreg [dreg:$0x1];
	s1 =	srdreg.scid  }
0x3: {  	s4 =	rddreg [dreg:$0x2];
	s13 =	stileid.u32  }
0x4: {  	s3 =	simm.s32 $0x0;
	s28 =	simm.s32 $0x8400;
	s17 =	simm.s32 $0x8C00  }
0x5: {  	s19 =	simm.s32 $0x9C00;
	s20 =	simm.s32 $0xAC00;
	s18 =	simm.s32 $0xD400  }
0x6: {  	s30 =	simm.s32 $0xE400;
	s31 =	simm.s32 $0x10400;
	s15 =	simm.s32 $0x5  }
0x7: {  	s16 =	simm.s32 $0x3;
	s29 =	simm.s32 $0x6;
	s1 =	sand.u32 $0x1, s1  }
0x8: {  	s5 =	sshll.u32 s13, $0xB;
	[smem:$0x7FF] =	sst s3;
	s8 =	sadd.s32 $0x400, s2  }
0x9: {  	s10 =	sadd.s32 $0x600, s2;
	s12 =	sadd.s32 $0x700, s2;
	s23 =	sshll.u32 s13, $0x13  }
0xa: {  	s13 =	simm.s32 $0xEC00;
	s6 =	sshll.u32 s1, $0xA;
	s21 =	ssub.s32 $0x2, s1  }
0xb: {  	_ =	strace $0x80000047;
	s1 =	sshll.u32 s1, $0x12;
	s9 =	sor.u32 s6, s5  }
0xc: {  	s7 =	sshrl.u32 s21, $0x1;
	s5 =	sadd.s32 $0x100, s2;
	s6 =	sshrl.u32 s9, $0x3  }
0xd: {  	s11 =	ssub.s32 s21, s7;
	s7 =	sadd.s32 $0x300, s2;
	s22 =	sshll.u32 s9, $0x8  }
0xe: {  	s9 =	sadd.s32 $0x500, s2;
	s21 =	simm.s32 $0xBC00;
	s14 =	sadd.s32 s4, s22  }
0xf: {  	s0 =	sadd.s32 s6, s0;
	s26 =	smax.u32 s11, $0x1;
	[dreg:$0x6] =	wrdreg s14  }
0x10: {  	s6 =	sadd.s32 $0x200, s2;
	s11 =	simm.s32 $0x0;
	[dreg:$0xa] =	wrdreg s26  }
0x11: {  	s22 =	simm.s32 $0xC400;
	s0 =	sadd.s32 $0x400, s0;
	[dreg:$0xb] =	wrdreg s11  }
0x12: {  	s24 =	sadd.s32 $0x3E000, s14;
	s25 =	sadd.s32 $0x3F000, s14;
	[dreg:$0x5] =	wrdreg s0  }
0x13: {  	s26 =	simm.s32 $0x2;
	s0 =	sadd.s32 $0x3D000, s14;
	[dreg:$0x8] =	wrdreg s24  }
0x14: {  	[dreg:$0x9] =	wrdreg s25;
	s24 =	simm.s32 $0xDC00;
	s25 =	simm.s32 $0x1  }
0x15: {  	v2 =	vlaneseq.u32;
	s14 =	simm.s32 $0x4;
	[dreg:$0x7] =	wrdreg s0;
	s0 =	sadd.s32 s23, s4  }
0x16: {  	vm0 =	vmmov $0xffff;
	v1 =	vshrl.u32 v2, $0x3;
	s4 =	simm.s32 $0xB400;
	s23 =	simm.s32 $0xCC00;
	s0 =	sadd.s32 s1, s0  }
0x17: {  	v0 =	vand.u32 $0x7, v2;
	v2 =	vor.u32 $0x8, v2;
	v1 =	vmul.u32 $0x8, v1;
	s1 =	simm.s32 $0xA400;
	[dreg:$0x4] =	wrdreg s0;
	s0 =	simm.s32 $0x9400  }
.LBB2_1:
0x18: {  	s11 =	rddreg [dreg:$0x5]  }
0x19: {  	[tilespmem:s3], [sflag:$0x7] =	stream.linear.gather [hbm4b:s11+s3], $0x400, $0x38;
	[tilespmem:$0x18400] =	vst v63  }
0x1a: {  	s11 =	simm.s32 $0x7  }
0x1b: {  	_ =	swait.ge [sflag:s11], $0x400  }
0x1c: {  	[sflag:s11] =	ssyncset.done $0x0  }
0x1d: {  	[sflag:s11] =	ssyncadd.s32 $0xFFFFFC00  }
0x1e: {  	v3 =	vld [tilespmem:$0x0];
	_ =	sdelay $0x4  }
0x1f: {  	v4 =	vshll.u32 v3, $0x4  }
0x20: {  	v3 =	vand.u32 $0x7, v3;
	v4 =	vand.u32 $0xFFFFFF80, v4  }
0x21: {  	v3 =	vor.u32 v3, v4  }
0x22: {  	v4 =	vperm.xlane v3, v0;
	_ =	sdelay $0x1  }
0x23: {  	v4 =	vadd.s32 v1, v4;
	_ =	sdelay $0x3  }
0x24: {  	s11 =	simm.s32 $0x400  }
0x25: {  	[tilespmem:s11], [sflag:$0x1] =	stream.indirect_vreg.gather [hbm4b:s2+s3], $0x80, v4, vm0, $0xb8;
	[tilespmem:$0x18400] =	vst v63  }
0x26: {  	s11 =	simm.s32 $0xC00  }
0x27: {  	[tilespmem:s11], [sflag:$0x1] =	stream.indirect_vreg.gather [hbm4b:s5+s3], $0x80, v4, vm0, $0xb8;
	[tilespmem:$0x18400] =	vst v63  }
0x28: {  	s11 =	simm.s32 $0x1400  }
0x29: {  	[tilespmem:s11], [sflag:$0x1] =	stream.indirect_vreg.gather [hbm4b:s6+s3], $0x80, v4, vm0, $0xb8;
	[tilespmem:$0x18400] =	vst v63  }
0x2a: {  	s11 =	simm.s32 $0x1C00  }
0x2b: {  	[tilespmem:s11], [sflag:$0x1] =	stream.indirect_vreg.gather [hbm4b:s7+s3], $0x80, v4, vm0, $0xb8;
	[tilespmem:$0x18400] =	vst v63  }
0x2c: {  	s11 =	simm.s32 $0x2400  }
0x2d: {  	[tilespmem:s11], [sflag:$0x1] =	stream.indirect_vreg.gather [hbm4b:s8+s3], $0x80, v4, vm0, $0xb8;
	[tilespmem:$0x18400] =	vst v63  }
0x2e: {  	v3 =	vperm.xlane v3, v2;
	s11 =	simm.s32 $0x2C00  }
0x2f: {  	[tilespmem:s11], [sflag:$0x1] =	stream.indirect_vreg.gather [hbm4b:s9+s3], $0x80, v4, vm0, $0xb8;
	[tilespmem:$0x18400] =	vst v63  }
0x30: {  	v3 =	vadd.s32 v1, v3;
	s11 =	simm.s32 $0x3400  }
0x31: {  	[tilespmem:s11], [sflag:$0x1] =	stream.indirect_vreg.gather [hbm4b:s10+s3], $0x80, v4, vm0, $0xb8;
	[tilespmem:$0x18400] =	vst v63  }
0x32: {  	s11 =	simm.s32 $0x3C00  }
0x33: {  	[tilespmem:s11], [sflag:$0x1] =	stream.indirect_vreg.gather [hbm4b:s12+s3], $0x80, v4, vm0, $0xb8;
	[tilespmem:$0x18400] =	vst v63  }
0x34: {  	s11 =	simm.s32 $0x4400  }
0x35: {  	[tilespmem:s11], [sflag:$0x1] =	stream.indirect_vreg.gather [hbm4b:s2+s3], $0x80, v3, vm0, $0xb8;
	[tilespmem:$0x18400] =	vst v63  }
0x36: {  	s11 =	simm.s32 $0x4C00  }
0x37: {  	[tilespmem:s11], [sflag:$0x1] =	stream.indirect_vreg.gather [hbm4b:s5+s3], $0x80, v3, vm0, $0xb8;
	[tilespmem:$0x18400] =	vst v63  }
0x38: {  	s11 =	simm.s32 $0x5400  }
0x39: {  	[tilespmem:s11], [sflag:$0x1] =	stream.indirect_vreg.gather [hbm4b:s6+s3], $0x80, v3, vm0, $0xb8;
	[tilespmem:$0x18400] =	vst v63  }
0x3a: {  	s11 =	simm.s32 $0x5C00  }
0x3b: {  	[tilespmem:s11], [sflag:$0x1] =	stream.indirect_vreg.gather [hbm4b:s7+s3], $0x80, v3, vm0, $0xb8;
	[tilespmem:$0x18400] =	vst v63  }
0x3c: {  	s11 =	simm.s32 $0x6400  }
0x3d: {  	[tilespmem:s11], [sflag:$0x1] =	stream.indirect_vreg.gather [hbm4b:s8+s3], $0x80, v3, vm0, $0xb8;
	[tilespmem:$0x18400] =	vst v63  }
0x3e: {  	s11 =	simm.s32 $0x6C00  }
0x3f: {  	[tilespmem:s11], [sflag:$0x1] =	stream.indirect_vreg.gather [hbm4b:s9+s3], $0x80, v3, vm0, $0xb8;
	[tilespmem:$0x18400] =	vst v63  }
0x40: {  	s11 =	simm.s32 $0x7400  }
0x41: {  	[tilespmem:s11], [sflag:$0x1] =	stream.indirect_vreg.gather [hbm4b:s10+s3], $0x80, v3, vm0, $0xb8;
	[tilespmem:$0x18400] =	vst v63  }
0x42: {  	s11 =	simm.s32 $0x7C00  }
0x43: {  	[tilespmem:s11], [sflag:$0x1] =	stream.indirect_vreg.gather [hbm4b:s12+s3], $0x80, v3, vm0, $0xb8;
	[tilespmem:$0x18400] =	vst v63  }
0x44: {  	v3 =	vld [tilespmem:$0x10];
	_ =	sdelay $0x4  }
0x45: {  	v62 =	vshll.u32 v3, $0x4  }
0x46: {  	v3 =	vand.u32 $0x7, v3;
	v4 =	vand.u32 $0xFFFFFF80, v62  }
0x47: {  	v3 =	vor.u32 v3, v4  }
0x48: {  	v4 =	vperm.xlane v3, v0;
	_ =	sdelay $0x1  }
0x49: {  	v4 =	vadd.s32 v1, v4;
	_ =	sdelay $0x4  }
0x4a: {  	[tilespmem:s28], [sflag:$0x2] =	stream.indirect_vreg.gather [hbm4b:s2+s3], $0x80, v4, vm0, $0xb8;
	[tilespmem:$0x18400] =	vst v63  }
0x4b: {  	_ = 	snop  }
0x4c: {  	[tilespmem:s17], [sflag:$0x2] =	stream.indirect_vreg.gather [hbm4b:s5+s3], $0x80, v4, vm0, $0xb8;
	[tilespmem:$0x18400] =	vst v63  }
0x4d: {  	_ = 	snop  }
0x4e: {  	[tilespmem:s0], [sflag:$0x2] =	stream.indirect_vreg.gather [hbm4b:s6+s3], $0x80, v4, vm0, $0xb8;
	[tilespmem:$0x18400] =	vst v63  }
0x4f: {  	_ = 	snop  }
0x50: {  	[tilespmem:s19], [sflag:$0x2] =	stream.indirect_vreg.gather [hbm4b:s7+s3], $0x80, v4, vm0, $0xb8;
	[tilespmem:$0x18400] =	vst v63  }
0x51: {  	_ = 	snop  }
0x52: {  	[tilespmem:s1], [sflag:$0x2] =	stream.indirect_vreg.gather [hbm4b:s8+s3], $0x80, v4, vm0, $0xb8;
	[tilespmem:$0x18400] =	vst v63  }
0x53: {  	v3 =	vperm.xlane v3, v2  }
0x54: {  	[tilespmem:s20], [sflag:$0x2] =	stream.indirect_vreg.gather [hbm4b:s9+s3], $0x80, v4, vm0, $0xb8;
	[tilespmem:$0x18400] =	vst v63  }
0x55: {  	v3 =	vadd.s32 v1, v3  }
0x56: {  	[tilespmem:s4], [sflag:$0x2] =	stream.indirect_vreg.gather [hbm4b:s10+s3], $0x80, v4, vm0, $0xb8;
	[tilespmem:$0x18400] =	vst v63  }
0x57: {  	_ = 	snop  }
0x58: {  	[tilespmem:s21], [sflag:$0x2] =	stream.indirect_vreg.gather [hbm4b:s12+s3], $0x80, v4, vm0, $0xb8;
	[tilespmem:$0x18400] =	vst v63  }
0x59: {  	_ = 	snop  }
0x5a: {  	[tilespmem:s22], [sflag:$0x2] =	stream.indirect_vreg.gather [hbm4b:s2+s3], $0x80, v3, vm0, $0xb8;
	[tilespmem:$0x18400] =	vst v63  }
0x5b: {  	_ = 	snop  }
0x5c: {  	[tilespmem:s23], [sflag:$0x2] =	stream.indirect_vreg.gather [hbm4b:s5+s3], $0x80, v3, vm0, $0xb8;
	[tilespmem:$0x18400] =	vst v63  }
0x5d: {  	_ = 	snop  }
0x5e: {  	[tilespmem:s18], [sflag:$0x2] =	stream.indirect_vreg.gather [hbm4b:s6+s3], $0x80, v3, vm0, $0xb8;
	[tilespmem:$0x18400] =	vst v63  }
0x5f: {  	_ = 	snop  }
0x60: {  	[tilespmem:s24], [sflag:$0x2] =	stream.indirect_vreg.gather [hbm4b:s7+s3], $0x80, v3, vm0, $0xb8;
	[tilespmem:$0x18400] =	vst v63  }
0x61: {  	_ = 	snop  }
0x62: {  	[tilespmem:s30], [sflag:$0x2] =	stream.indirect_vreg.gather [hbm4b:s8+s3], $0x80, v3, vm0, $0xb8;
	[tilespmem:$0x18400] =	vst v63  }
0x63: {  	_ = 	snop  }
0x64: {  	[tilespmem:s13], [sflag:$0x2] =	stream.indirect_vreg.gather [hbm4b:s9+s3], $0x80, v3, vm0, $0xb8;
	[tilespmem:$0x18400] =	vst v63  }
0x65: {  	s22 =	simm.s32 $0xF400  }
0x66: {  	[tilespmem:s22], [sflag:$0x2] =	stream.indirect_vreg.gather [hbm4b:s10+s3], $0x80, v3, vm0, $0xb8;
	[tilespmem:$0x18400] =	vst v63  }
0x67: {  	s23 =	simm.s32 $0xFC00  }
0x68: {  	[tilespmem:s23], [sflag:$0x2] =	stream.indirect_vreg.gather [hbm4b:s12+s3], $0x80, v3, vm0, $0xb8;
	[tilespmem:$0x18400] =	vst v63  }
0x69: {  	v3 =	vld [tilespmem:$0x20];
	_ =	sdelay $0x4  }
0x6a: {  	v63 =	vshll.u32 v3, $0x4  }
0x6b: {  	v3 =	vand.u32 $0x7, v3;
	v4 =	vand.u32 $0xFFFFFF80, v63  }
0x6c: {  	v3 =	vor.u32 v3, v4  }
0x6d: {  	v4 =	vperm.xlane v3, v0;
	_ =	sdelay $0x1  }
0x6e: {  	v4 =	vadd.s32 v1, v4;
	_ =	sdelay $0x4  }
0x6f: {  	[tilespmem:s31], [sflag:$0x3] =	stream.indirect_vreg.gather [hbm4b:s2+s3], $0x80, v4, vm0, $0xb8;
	[tilespmem:$0x18400] =	vst v63  }
0x70: {  	s24 =	simm.s32 $0x10C00  }
0x71: {  	[tilespmem:s24], [sflag:$0x3] =	stream.indirect_vreg.gather [hbm4b:s5+s3], $0x80, v4, vm0, $0xb8;
	[tilespmem:$0x18400] =	vst v63  }
0x72: {  	s28 =	simm.s32 $0x11400  }
0x73: {  	[tilespmem:s28], [sflag:$0x3] =	stream.indirect_vreg.gather [hbm4b:s6+s3], $0x80, v4, vm0, $0xb8;
	[tilespmem:$0x18400] =	vst v63  }
0x74: {  	s31 =	simm.s32 $0x11C00  }
0x75: {  	[tilespmem:s31], [sflag:$0x3] =	stream.indirect_vreg.gather [hbm4b:s7+s3], $0x80, v4, vm0, $0xb8;
	[tilespmem:$0x18400] =	vst v63  }
0x76: {  	s1 =	simm.s32 $0x12400  }
0x77: {  	[tilespmem:s1], [sflag:$0x3] =	stream.indirect_vreg.gather [hbm4b:s8+s3], $0x80, v4, vm0, $0xb8;
	[tilespmem:$0x18400] =	vst v63  }
0x78: {  	s4 =	simm.s32 $0x12C00;
	v3 =	vperm.xlane v3, v2  }
0x79: {  	[tilespmem:s4], [sflag:$0x3] =	stream.indirect_vreg.gather [hbm4b:s9+s3], $0x80, v4, vm0, $0xb8;
	[tilespmem:$0x18400] =	vst v63  }
0x7a: {  	s11 =	simm.s32 $0x13400;
	v3 =	vadd.s32 v1, v3  }
0x7b: {  	[tilespmem:s11], [sflag:$0x3] =	stream.indirect_vreg.gather [hbm4b:s10+s3], $0x80, v4, vm0, $0xb8;
	[tilespmem:$0x18400] =	vst v63  }
0x7c: {  	s13 =	simm.s32 $0x13C00  }
0x7d: {  	[tilespmem:s13], [sflag:$0x3] =	stream.indirect_vreg.gather [hbm4b:s12+s3], $0x80, v4, vm0, $0xb8;
	[tilespmem:$0x18400] =	vst v63  }
0x7e: {  	s17 =	simm.s32 $0x14400  }
0x7f: {  	[tilespmem:s17], [sflag:$0x3] =	stream.indirect_vreg.gather [hbm4b:s2+s3], $0x80, v3, vm0, $0xb8;
	[tilespmem:$0x18400] =	vst v63  }
0x80: {  	s18 =	simm.s32 $0x14C00  }
0x81: {  	[tilespmem:s18], [sflag:$0x3] =	stream.indirect_vreg.gather [hbm4b:s5+s3], $0x80, v3, vm0, $0xb8;
	[tilespmem:$0x18400] =	vst v63  }
0x82: {  	s19 =	simm.s32 $0x15400  }
0x83: {  	[tilespmem:s19], [sflag:$0x3] =	stream.indirect_vreg.gather [hbm4b:s6+s3], $0x80, v3, vm0, $0xb8;
	[tilespmem:$0x18400] =	vst v63  }
0x84: {  	s20 =	simm.s32 $0x15C00  }
0x85: {  	[tilespmem:s20], [sflag:$0x3] =	stream.indirect_vreg.gather [hbm4b:s7+s3], $0x80, v3, vm0, $0xb8;
	[tilespmem:$0x18400] =	vst v63  }
0x86: {  	s21 =	simm.s32 $0x16400;
	s30 =	simm.s32 $0x0  }
0x87: {  	[tilespmem:s21], [sflag:$0x3] =	stream.indirect_vreg.gather [hbm4b:s8+s3], $0x80, v3, vm0, $0xb8;
	[tilespmem:$0x18400] =	vst v63  }
0x88: {  	s22 =	simm.s32 $0x16C00;
	s23 =	simm.s32 $0x17400;
	s24 =	simm.s32 $0x17C00  }
0x89: {  	[tilespmem:s22], [sflag:$0x3] =	stream.indirect_vreg.gather [hbm4b:s9+s3], $0x80, v3, vm0, $0xb8;
	[tilespmem:$0x18400] =	vst v63  }
0x8a: {  	s31 =	simm.s32 $0x400;
	s1 =	simm.s32 $0xDC00;
	s4 =	simm.s32 $0xB400  }
0x8b: {  	[tilespmem:s23], [sflag:$0x3] =	stream.indirect_vreg.gather [hbm4b:s10+s3], $0x80, v3, vm0, $0xb8;
	[tilespmem:$0x18400] =	vst v63  }
0x8c: {  	s11 =	simm.s32 $0x50;
	s18 =	simm.s32 $0xD400;
	s19 =	simm.s32 $0xEC00  }
0x8d: {  	[tilespmem:s24], [sflag:$0x3] =	stream.indirect_vreg.gather [hbm4b:s12+s3], $0x80, v3, vm0, $0xb8;
	[tilespmem:$0x18400] =	vst v63  }
0x8e: {  	s20 =	simm.s32 $0x9C00;
	s21 =	simm.s32 $0xAC00;
	_ =	swait.ge [sflag:s25], $0x8000  }
0x8f: {  	s22 =	simm.s32 $0xBC00;
	s23 =	simm.s32 $0xC400;
	[sflag:s25] =	ssyncset.done $0x0  }
0x90: {  	s24 =	simm.s32 $0xCC00;
	s28 =	rddreg [dreg:$0x6];
	[sflag:s25] =	ssyncadd.s32 $0xFFFF8000  }
0x91: {  	[hbm4b:s28+s3] =	stream.linear.scatter [tilespmem:s31], [sflag:$0x4], $0x8000, $0x38;
	[tilespmem:$0x18400] =	vst v63  }
.LBB2_2:
0x92: {  	_ =	swait.ge [sflag:s14], $0x8000  }
0x93: {  	[sflag:s14] =	ssyncset.done $0x0  }
0x94: {  	[sflag:s14] =	ssyncadd.s32 $0xFFFF8000  }
0x95: {  	v3 =	vld [tilespmem:s11+$0xFFFFFFE0];
	_ =	sdelay $0x4  }
0x96: {  	v4 =	vshll.u32 v3, $0x4  }
0x97: {  	v3 =	vand.u32 $0x7, v3;
	v4 =	vand.u32 $0xFFFFFF80, v4  }
0x98: {  	v3 =	vor.u32 v3, v4  }
0x99: {  	v4 =	vperm.xlane v3, v0;
	_ =	sdelay $0x1  }
0x9a: {  	v4 =	vadd.s32 v1, v4;
	_ =	sdelay $0x3  }
0x9b: {  	s13 =	simm.s32 $0x400  }
0x9c: {  	[tilespmem:s13], [sflag:$0x1] =	stream.indirect_vreg.gather [hbm4b:s2+s3], $0x80, v4, vm0, $0xb8;
	[tilespmem:$0x18400] =	vst v63  }
0x9d: {  	s17 =	simm.s32 $0xC00  }
0x9e: {  	[tilespmem:s17], [sflag:$0x1] =	stream.indirect_vreg.gather [hbm4b:s5+s3], $0x80, v4, vm0, $0xb8;
	[tilespmem:$0x18400] =	vst v63  }
0x9f: {  	s0 =	simm.s32 $0x1400  }
0xa0: {  	[tilespmem:s0], [sflag:$0x1] =	stream.indirect_vreg.gather [hbm4b:s6+s3], $0x80, v4, vm0, $0xb8;
	[tilespmem:$0x18400] =	vst v63  }
0xa1: {  	s0 =	simm.s32 $0x1C00  }
0xa2: {  	[tilespmem:s0], [sflag:$0x1] =	stream.indirect_vreg.gather [hbm4b:s7+s3], $0x80, v4, vm0, $0xb8;
	[tilespmem:$0x18400] =	vst v63  }
0xa3: {  	s0 =	simm.s32 $0x2400  }
0xa4: {  	[tilespmem:s0], [sflag:$0x1] =	stream.indirect_vreg.gather [hbm4b:s8+s3], $0x80, v4, vm0, $0xb8;
	[tilespmem:$0x18400] =	vst v63  }
0xa5: {  	v3 =	vperm.xlane v3, v2;
	s0 =	simm.s32 $0x2C00  }
0xa6: {  	[tilespmem:s0], [sflag:$0x1] =	stream.indirect_vreg.gather [hbm4b:s9+s3], $0x80, v4, vm0, $0xb8;
	[tilespmem:$0x18400] =	vst v63  }
0xa7: {  	v3 =	vadd.s32 v1, v3;
	s0 =	simm.s32 $0x3400  }
0xa8: {  	[tilespmem:s0], [sflag:$0x1] =	stream.indirect_vreg.gather [hbm4b:s10+s3], $0x80, v4, vm0, $0xb8;
	[tilespmem:$0x18400] =	vst v63  }
0xa9: {  	s0 =	simm.s32 $0x3C00  }
0xaa: {  	[tilespmem:s0], [sflag:$0x1] =	stream.indirect_vreg.gather [hbm4b:s12+s3], $0x80, v4, vm0, $0xb8;
	[tilespmem:$0x18400] =	vst v63  }
0xab: {  	s0 =	simm.s32 $0x4400  }
0xac: {  	[tilespmem:s0], [sflag:$0x1] =	stream.indirect_vreg.gather [hbm4b:s2+s3], $0x80, v3, vm0, $0xb8;
	[tilespmem:$0x18400] =	vst v63  }
0xad: {  	s0 =	simm.s32 $0x4C00  }
0xae: {  	[tilespmem:s0], [sflag:$0x1] =	stream.indirect_vreg.gather [hbm4b:s5+s3], $0x80, v3, vm0, $0xb8;
	[tilespmem:$0x18400] =	vst v63  }
0xaf: {  	s0 =	simm.s32 $0x5400  }
0xb0: {  	[tilespmem:s0], [sflag:$0x1] =	stream.indirect_vreg.gather [hbm4b:s6+s3], $0x80, v3, vm0, $0xb8;
	[tilespmem:$0x18400] =	vst v63  }
0xb1: {  	s0 =	simm.s32 $0x5C00  }
0xb2: {  	[tilespmem:s0], [sflag:$0x1] =	stream.indirect_vreg.gather [hbm4b:s7+s3], $0x80, v3, vm0, $0xb8;
	[tilespmem:$0x18400] =	vst v63  }
0xb3: {  	s0 =	simm.s32 $0x6400  }
0xb4: {  	[tilespmem:s0], [sflag:$0x1] =	stream.indirect_vreg.gather [hbm4b:s8+s3], $0x80, v3, vm0, $0xb8;
	[tilespmem:$0x18400] =	vst v63  }
0xb5: {  	s0 =	simm.s32 $0x6C00  }
0xb6: {  	[tilespmem:s0], [sflag:$0x1] =	stream.indirect_vreg.gather [hbm4b:s9+s3], $0x80, v3, vm0, $0xb8;
	[tilespmem:$0x18400] =	vst v63  }
0xb7: {  	s0 =	simm.s32 $0x7400  }
0xb8: {  	[tilespmem:s0], [sflag:$0x1] =	stream.indirect_vreg.gather [hbm4b:s10+s3], $0x80, v3, vm0, $0xb8;
	[tilespmem:$0x18400] =	vst v63  }
0xb9: {  	s0 =	simm.s32 $0x7C00  }
0xba: {  	[tilespmem:s0], [sflag:$0x1] =	stream.indirect_vreg.gather [hbm4b:s12+s3], $0x80, v3, vm0, $0xb8;
	[tilespmem:$0x18400] =	vst v63  }
0xbb: {  	_ =	swait.ge [sflag:s26], $0x8000  }
0xbc: {  	s0 =	rddreg [dreg:$0x4]  }
0xbd: {  	[sflag:s26] =	ssyncset.done $0x0;
	s17 =	sadd.s32 s30, s0  }
0xbe: {  	[sflag:s26] =	ssyncadd.s32 $0xFFFF8000;
	s0 =	simm.s32 $0x8400;
	s31 =	sadd.s32 $0x1000, s17  }
0xbf: {  	[hbm4b:s31+s3] =	stream.linear.scatter [tilespmem:s0], [sflag:$0x5], $0x8000, $0x38;
	[tilespmem:$0x18400] =	vst v63  }
0xc0: {  	_ =	swait.ge [sflag:s15], $0x8000  }
0xc1: {  	[sflag:s15] =	ssyncset.done $0x0  }
0xc2: {  	[sflag:s15] =	ssyncadd.s32 $0xFFFF8000  }
0xc3: {  	v3 =	vld [tilespmem:s11+$0xFFFFFFF0];
	_ =	sdelay $0x4  }
0xc4: {  	v62 =	vshll.u32 v3, $0x4  }
0xc5: {  	v3 =	vand.u32 $0x7, v3;
	v4 =	vand.u32 $0xFFFFFF80, v62  }
0xc6: {  	v3 =	vor.u32 v3, v4  }
0xc7: {  	v4 =	vperm.xlane v3, v0;
	_ =	sdelay $0x1  }
0xc8: {  	v4 =	vadd.s32 v1, v4;
	_ =	sdelay $0x4  }
0xc9: {  	[tilespmem:s0], [sflag:$0x2] =	stream.indirect_vreg.gather [hbm4b:s2+s3], $0x80, v4, vm0, $0xb8;
	[tilespmem:$0x18400] =	vst v63  }
0xca: {  	s0 =	simm.s32 $0x8C00  }
0xcb: {  	[tilespmem:s0], [sflag:$0x2] =	stream.indirect_vreg.gather [hbm4b:s5+s3], $0x80, v4, vm0, $0xb8;
	[tilespmem:$0x18400] =	vst v63  }
0xcc: {  	s0 =	simm.s32 $0x9400  }
0xcd: {  	[tilespmem:s0], [sflag:$0x2] =	stream.indirect_vreg.gather [hbm4b:s6+s3], $0x80, v4, vm0, $0xb8;
	[tilespmem:$0x18400] =	vst v63  }
0xce: {  	_ = 	snop  }
0xcf: {  	[tilespmem:s20], [sflag:$0x2] =	stream.indirect_vreg.gather [hbm4b:s7+s3], $0x80, v4, vm0, $0xb8;
	[tilespmem:$0x18400] =	vst v63  }
0xd0: {  	s0 =	simm.s32 $0xA400  }
0xd1: {  	[tilespmem:s0], [sflag:$0x2] =	stream.indirect_vreg.gather [hbm4b:s8+s3], $0x80, v4, vm0, $0xb8;
	[tilespmem:$0x18400] =	vst v63  }
0xd2: {  	v3 =	vperm.xlane v3, v2  }
0xd3: {  	[tilespmem:s21], [sflag:$0x2] =	stream.indirect_vreg.gather [hbm4b:s9+s3], $0x80, v4, vm0, $0xb8;
	[tilespmem:$0x18400] =	vst v63  }
0xd4: {  	v3 =	vadd.s32 v1, v3  }
0xd5: {  	[tilespmem:s4], [sflag:$0x2] =	stream.indirect_vreg.gather [hbm4b:s10+s3], $0x80, v4, vm0, $0xb8;
	[tilespmem:$0x18400] =	vst v63  }
0xd6: {  	_ = 	snop  }
0xd7: {  	[tilespmem:s22], [sflag:$0x2] =	stream.indirect_vreg.gather [hbm4b:s12+s3], $0x80, v4, vm0, $0xb8;
	[tilespmem:$0x18400] =	vst v63  }
0xd8: {  	_ = 	snop  }
0xd9: {  	[tilespmem:s23], [sflag:$0x2] =	stream.indirect_vreg.gather [hbm4b:s2+s3], $0x80, v3, vm0, $0xb8;
	[tilespmem:$0x18400] =	vst v63  }
0xda: {  	_ = 	snop  }
0xdb: {  	[tilespmem:s24], [sflag:$0x2] =	stream.indirect_vreg.gather [hbm4b:s5+s3], $0x80, v3, vm0, $0xb8;
	[tilespmem:$0x18400] =	vst v63  }
0xdc: {  	_ = 	snop  }
0xdd: {  	[tilespmem:s18], [sflag:$0x2] =	stream.indirect_vreg.gather [hbm4b:s6+s3], $0x80, v3, vm0, $0xb8;
	[tilespmem:$0x18400] =	vst v63  }
0xde: {  	_ = 	snop  }
0xdf: {  	[tilespmem:s1], [sflag:$0x2] =	stream.indirect_vreg.gather [hbm4b:s7+s3], $0x80, v3, vm0, $0xb8;
	[tilespmem:$0x18400] =	vst v63  }
0xe0: {  	s0 =	simm.s32 $0xE400  }
0xe1: {  	[tilespmem:s0], [sflag:$0x2] =	stream.indirect_vreg.gather [hbm4b:s8+s3], $0x80, v3, vm0, $0xb8;
	[tilespmem:$0x18400] =	vst v63  }
0xe2: {  	_ = 	snop  }
0xe3: {  	[tilespmem:s19], [sflag:$0x2] =	stream.indirect_vreg.gather [hbm4b:s9+s3], $0x80, v3, vm0, $0xb8;
	[tilespmem:$0x18400] =	vst v63  }
0xe4: {  	s0 =	simm.s32 $0xF400  }
0xe5: {  	[tilespmem:s0], [sflag:$0x2] =	stream.indirect_vreg.gather [hbm4b:s10+s3], $0x80, v3, vm0, $0xb8;
	[tilespmem:$0x18400] =	vst v63  }
0xe6: {  	s0 =	simm.s32 $0xFC00  }
0xe7: {  	[tilespmem:s0], [sflag:$0x2] =	stream.indirect_vreg.gather [hbm4b:s12+s3], $0x80, v3, vm0, $0xb8;
	[tilespmem:$0x18400] =	vst v63  }
0xe8: {  	_ =	swait.ge [sflag:s16], $0x8000  }
0xe9: {  	[sflag:s16] =	ssyncset.done $0x0  }
0xea: {  	s31 =	sadd.s32 $0x2000, s17;
	s0 =	simm.s32 $0x10400;
	[sflag:s16] =	ssyncadd.s32 $0xFFFF8000  }
0xeb: {  	[hbm4b:s31+s3] =	stream.linear.scatter [tilespmem:s0], [sflag:$0x6], $0x8000, $0x38;
	[tilespmem:$0x18400] =	vst v63  }
0xec: {  	_ =	swait.ge [sflag:s29], $0x8000  }
0xed: {  	[sflag:s29] =	ssyncset.done $0x0  }
0xee: {  	[sflag:s29] =	ssyncadd.s32 $0xFFFF8000  }
0xef: {  	v3 =	vld [tilespmem:s11+$0x0];
	_ =	sdelay $0x4  }
0xf0: {  	v63 =	vshll.u32 v3, $0x4  }
0xf1: {  	v3 =	vand.u32 $0x7, v3;
	v4 =	vand.u32 $0xFFFFFF80, v63  }
0xf2: {  	v3 =	vor.u32 v3, v4  }
0xf3: {  	v4 =	vperm.xlane v3, v0;
	_ =	sdelay $0x1  }
0xf4: {  	v4 =	vadd.s32 v1, v4;
	_ =	sdelay $0x4  }
0xf5: {  	[tilespmem:s0], [sflag:$0x3] =	stream.indirect_vreg.gather [hbm4b:s2+s3], $0x80, v4, vm0, $0xb8;
	[tilespmem:$0x18400] =	vst v63  }
0xf6: {  	s0 =	simm.s32 $0x10C00  }
0xf7: {  	[tilespmem:s0], [sflag:$0x3] =	stream.indirect_vreg.gather [hbm4b:s5+s3], $0x80, v4, vm0, $0xb8;
	[tilespmem:$0x18400] =	vst v63  }
0xf8: {  	s0 =	simm.s32 $0x11400  }
0xf9: {  	[tilespmem:s0], [sflag:$0x3] =	stream.indirect_vreg.gather [hbm4b:s6+s3], $0x80, v4, vm0, $0xb8;
	[tilespmem:$0x18400] =	vst v63  }
0xfa: {  	s0 =	simm.s32 $0x11C00  }
0xfb: {  	[tilespmem:s0], [sflag:$0x3] =	stream.indirect_vreg.gather [hbm4b:s7+s3], $0x80, v4, vm0, $0xb8;
	[tilespmem:$0x18400] =	vst v63  }
0xfc: {  	s0 =	simm.s32 $0x12400  }
0xfd: {  	[tilespmem:s0], [sflag:$0x3] =	stream.indirect_vreg.gather [hbm4b:s8+s3], $0x80, v4, vm0, $0xb8;
	[tilespmem:$0x18400] =	vst v63  }
0xfe: {  	v3 =	vperm.xlane v3, v2;
	s0 =	simm.s32 $0x12C00  }
0xff: {  	[tilespmem:s0], [sflag:$0x3] =	stream.indirect_vreg.gather [hbm4b:s9+s3], $0x80, v4, vm0, $0xb8;
	[tilespmem:$0x18400] =	vst v63  }
0x100: {  	v3 =	vadd.s32 v1, v3;
	s0 =	simm.s32 $0x13400  }
0x101: {  	[tilespmem:s0], [sflag:$0x3] =	stream.indirect_vreg.gather [hbm4b:s10+s3], $0x80, v4, vm0, $0xb8;
	[tilespmem:$0x18400] =	vst v63  }
0x102: {  	s0 =	simm.s32 $0x13C00  }
0x103: {  	[tilespmem:s0], [sflag:$0x3] =	stream.indirect_vreg.gather [hbm4b:s12+s3], $0x80, v4, vm0, $0xb8;
	[tilespmem:$0x18400] =	vst v63  }
0x104: {  	s0 =	simm.s32 $0x14400  }
0x105: {  	[tilespmem:s0], [sflag:$0x3] =	stream.indirect_vreg.gather [hbm4b:s2+s3], $0x80, v3, vm0, $0xb8;
	[tilespmem:$0x18400] =	vst v63  }
0x106: {  	s0 =	simm.s32 $0x14C00  }
0x107: {  	[tilespmem:s0], [sflag:$0x3] =	stream.indirect_vreg.gather [hbm4b:s5+s3], $0x80, v3, vm0, $0xb8;
	[tilespmem:$0x18400] =	vst v63  }
0x108: {  	s0 =	simm.s32 $0x15400  }
0x109: {  	[tilespmem:s0], [sflag:$0x3] =	stream.indirect_vreg.gather [hbm4b:s6+s3], $0x80, v3, vm0, $0xb8;
	[tilespmem:$0x18400] =	vst v63  }
0x10a: {  	s0 =	simm.s32 $0x15C00  }
0x10b: {  	[tilespmem:s0], [sflag:$0x3] =	stream.indirect_vreg.gather [hbm4b:s7+s3], $0x80, v3, vm0, $0xb8;
	[tilespmem:$0x18400] =	vst v63  }
0x10c: {  	s0 =	simm.s32 $0x16400  }
0x10d: {  	[tilespmem:s0], [sflag:$0x3] =	stream.indirect_vreg.gather [hbm4b:s8+s3], $0x80, v3, vm0, $0xb8;
	[tilespmem:$0x18400] =	vst v63  }
0x10e: {  	s0 =	simm.s32 $0x16C00  }
0x10f: {  	[tilespmem:s0], [sflag:$0x3] =	stream.indirect_vreg.gather [hbm4b:s9+s3], $0x80, v3, vm0, $0xb8;
	[tilespmem:$0x18400] =	vst v63  }
0x110: {  	s0 =	simm.s32 $0x17400  }
0x111: {  	[tilespmem:s0], [sflag:$0x3] =	stream.indirect_vreg.gather [hbm4b:s10+s3], $0x80, v3, vm0, $0xb8;
	[tilespmem:$0x18400] =	vst v63  }
0x112: {  	p0 =	sne.s32 s30, $0x39000;
	s0 =	simm.s32 $0x17C00  }
0x113: {  	[tilespmem:s0], [sflag:$0x3] =	stream.indirect_vreg.gather [hbm4b:s12+s3], $0x80, v3, vm0, $0xb8;
	[tilespmem:$0x18400] =	vst v63  }
.Ltmp0:
0x114: {  	_ = 	snop;
	(pc) =	sbr.rel @p0 .LBB2_2-.Ltmp0, $4  }
0x115: {  	s28 =	simm.s32 $0x8400;
	_ =	swait.ge [sflag:s25], $0x8000  }
0x116: {  	s30 =	sadd.s32 $0x3000, s30;
	s17 =	sadd.s32 $0x3000, s17;
	[sflag:s25] =	ssyncset.done $0x0  }
0x117: {  	s31 =	simm.s32 $0x10400;
	s11 =	sadd.s32 $0x30, s11;
	[sflag:s25] =	ssyncadd.s32 $0xFFFF8000  }
0x118: {  	[hbm4b:s17+s3] =	stream.linear.scatter [tilespmem:s13], [sflag:$0x4], $0x8000, $0x38;
	[tilespmem:$0x18400] =	vst v63  }
0x119: {  	_ =	swait.ge [sflag:s14], $0x8000  }
0x11a: {  	[sflag:s14] =	ssyncset.done $0x0  }
0x11b: {  	[sflag:s14] =	ssyncadd.s32 $0xFFFF8000  }
0x11c: {  	v3 =	vld [tilespmem:$0x3F0];
	_ =	sdelay $0x4  }
0x11d: {  	v4 =	vshll.u32 v3, $0x4  }
0x11e: {  	v3 =	vand.u32 $0x7, v3;
	v4 =	vand.u32 $0xFFFFFF80, v4  }
0x11f: {  	v3 =	vor.u32 v3, v4  }
0x120: {  	v4 =	vperm.xlane v3, v0;
	_ =	sdelay $0x1  }
0x121: {  	v4 =	vadd.s32 v1, v4;
	_ =	sdelay $0x3  }
0x122: {  	s0 =	simm.s32 $0x400  }
0x123: {  	[tilespmem:s0], [sflag:$0x1] =	stream.indirect_vreg.gather [hbm4b:s2+s3], $0x80, v4, vm0, $0xb8;
	[tilespmem:$0x18400] =	vst v63  }
0x124: {  	s11 =	simm.s32 $0xC00  }
0x125: {  	[tilespmem:s11], [sflag:$0x1] =	stream.indirect_vreg.gather [hbm4b:s5+s3], $0x80, v4, vm0, $0xb8;
	[tilespmem:$0x18400] =	vst v63  }
0x126: {  	s17 =	simm.s32 $0x1400  }
0x127: {  	[tilespmem:s17], [sflag:$0x1] =	stream.indirect_vreg.gather [hbm4b:s6+s3], $0x80, v4, vm0, $0xb8;
	[tilespmem:$0x18400] =	vst v63  }
0x128: {  	s18 =	simm.s32 $0x1C00  }
0x129: {  	[tilespmem:s18], [sflag:$0x1] =	stream.indirect_vreg.gather [hbm4b:s7+s3], $0x80, v4, vm0, $0xb8;
	[tilespmem:$0x18400] =	vst v63  }
0x12a: {  	s19 =	simm.s32 $0x2400  }
0x12b: {  	[tilespmem:s19], [sflag:$0x1] =	stream.indirect_vreg.gather [hbm4b:s8+s3], $0x80, v4, vm0, $0xb8;
	[tilespmem:$0x18400] =	vst v63  }
0x12c: {  	s20 =	simm.s32 $0x2C00;
	v3 =	vperm.xlane v3, v2  }
0x12d: {  	[tilespmem:s20], [sflag:$0x1] =	stream.indirect_vreg.gather [hbm4b:s9+s3], $0x80, v4, vm0, $0xb8;
	[tilespmem:$0x18400] =	vst v63  }
0x12e: {  	s21 =	simm.s32 $0x3400;
	v3 =	vadd.s32 v1, v3  }
0x12f: {  	[tilespmem:s21], [sflag:$0x1] =	stream.indirect_vreg.gather [hbm4b:s10+s3], $0x80, v4, vm0, $0xb8;
	[tilespmem:$0x18400] =	vst v63  }
0x130: {  	s22 =	simm.s32 $0x3C00  }
0x131: {  	[tilespmem:s22], [sflag:$0x1] =	stream.indirect_vreg.gather [hbm4b:s12+s3], $0x80, v4, vm0, $0xb8;
	[tilespmem:$0x18400] =	vst v63  }
0x132: {  	s23 =	simm.s32 $0x4400  }
0x133: {  	[tilespmem:s23], [sflag:$0x1] =	stream.indirect_vreg.gather [hbm4b:s2+s3], $0x80, v3, vm0, $0xb8;
	[tilespmem:$0x18400] =	vst v63  }
0x134: {  	s24 =	simm.s32 $0x4C00  }
0x135: {  	[tilespmem:s24], [sflag:$0x1] =	stream.indirect_vreg.gather [hbm4b:s5+s3], $0x80, v3, vm0, $0xb8;
	[tilespmem:$0x18400] =	vst v63  }
0x136: {  	s1 =	simm.s32 $0x5400  }
0x137: {  	[tilespmem:s1], [sflag:$0x1] =	stream.indirect_vreg.gather [hbm4b:s6+s3], $0x80, v3, vm0, $0xb8;
	[tilespmem:$0x18400] =	vst v63  }
0x138: {  	s4 =	simm.s32 $0x5C00  }
0x139: {  	[tilespmem:s4], [sflag:$0x1] =	stream.indirect_vreg.gather [hbm4b:s7+s3], $0x80, v3, vm0, $0xb8;
	[tilespmem:$0x18400] =	vst v63  }
0x13a: {  	s13 =	simm.s32 $0x6400  }
0x13b: {  	[tilespmem:s13], [sflag:$0x1] =	stream.indirect_vreg.gather [hbm4b:s8+s3], $0x80, v3, vm0, $0xb8;
	[tilespmem:$0x18400] =	vst v63  }
0x13c: {  	s17 =	simm.s32 $0x6C00  }
0x13d: {  	[tilespmem:s17], [sflag:$0x1] =	stream.indirect_vreg.gather [hbm4b:s9+s3], $0x80, v3, vm0, $0xb8;
	[tilespmem:$0x18400] =	vst v63  }
0x13e: {  	s18 =	simm.s32 $0x7400  }
0x13f: {  	[tilespmem:s18], [sflag:$0x1] =	stream.indirect_vreg.gather [hbm4b:s10+s3], $0x80, v3, vm0, $0xb8;
	[tilespmem:$0x18400] =	vst v63  }
0x140: {  	s19 =	simm.s32 $0x7C00  }
0x141: {  	[tilespmem:s19], [sflag:$0x1] =	stream.indirect_vreg.gather [hbm4b:s12+s3], $0x80, v3, vm0, $0xb8;
	[tilespmem:$0x18400] =	vst v63  }
0x142: {  	_ =	swait.ge [sflag:s26], $0x8000  }
0x143: {  	[sflag:s26] =	ssyncset.done $0x0  }
0x144: {  	s20 =	rddreg [dreg:$0x7];
	[sflag:s26] =	ssyncadd.s32 $0xFFFF8000  }
0x145: {  	[hbm4b:s20+s3] =	stream.linear.scatter [tilespmem:s28], [sflag:$0x5], $0x8000, $0x38;
	[tilespmem:$0x18400] =	vst v63  }
0x146: {  	_ =	swait.ge [sflag:s15], $0x8000  }
0x147: {  	[sflag:s15] =	ssyncset.done $0x0  }
0x148: {  	[sflag:s15] =	ssyncadd.s32 $0xFFFF8000  }
0x149: {  	_ =	swait.ge [sflag:s16], $0x8000  }
0x14a: {  	[sflag:s16] =	ssyncset.done $0x0  }
0x14b: {  	s21 =	rddreg [dreg:$0x8];
	[sflag:s16] =	ssyncadd.s32 $0xFFFF8000  }
0x14c: {  	[hbm4b:s21+s3] =	stream.linear.scatter [tilespmem:s31], [sflag:$0x6], $0x8000, $0x38;
	[tilespmem:$0x18400] =	vst v63  }
0x14d: {  	_ =	swait.ge [sflag:s29], $0x8000  }
0x14e: {  	[sflag:s29] =	ssyncset.done $0x0  }
0x14f: {  	[sflag:s29] =	ssyncadd.s32 $0xFFFF8000  }
0x150: {  	_ =	swait.ge [sflag:s25], $0x8000  }
0x151: {  	[sflag:s25] =	ssyncset.done $0x0  }
0x152: {  	s22 =	rddreg [dreg:$0x9];
	[sflag:s25] =	ssyncadd.s32 $0xFFFF8000  }
0x153: {  	[hbm4b:s22+s3] =	stream.linear.scatter [tilespmem:s0], [sflag:$0x4], $0x8000, $0x38;
	[tilespmem:$0x18400] =	vst v63  }
0x154: {  	_ =	swait.ge [sflag:s14], $0x8000  }
0x155: {  	s23 =	rddreg [dreg:$0xb]  }
0x156: {  	s24 =	rddreg [dreg:$0xa];
	s0 =	sadd.s32 $0x1, s23  }
0x157: {  	s30 =	simm.s32 $0xE400;
	s1 =	simm.s32 $0xA400;
	p0 =	sne.s32 s0, s24  }
.Ltmp1:
0x158: {  	s4 =	simm.s32 $0xB400;
	s13 =	simm.s32 $0xEC00;
	(pc) =	sbr.rel @p0 .LBB2_1-.Ltmp1, $4  }
0x159: {  	s17 =	simm.s32 $0x8C00;
	s18 =	simm.s32 $0xD400;
	s19 =	simm.s32 $0x9C00  }
0x15a: {  	s20 =	simm.s32 $0xAC00;
	s21 =	simm.s32 $0xBC00;
	[sflag:s14] =	ssyncset.done $0x0  }
0x15b: {  	s22 =	simm.s32 $0xC400;
	[sflag:s14] =	ssyncadd.s32 $0xFFFF8000;
	s23 =	simm.s32 $0xCC00  }
0x15c: {  	[dreg:$0xb] =	wrdreg s0;
	s0 =	simm.s32 $0x9400;
	s24 =	simm.s32 $0xDC00  }
0x15d: {  	_ =	sfence.sel $0x180000  }
0x15e: {  	[bflag:$0x0] =	sbarrier.arrive $0xFFFF  }
0x15f: {  	_ =	strace $0x90000047  }
0x160: {  	s0 =	stileid.u32;
	[bflag:$0x2] =	sbarrier.arrive $0xFFFF  }
0x161: {  	p0 =	sne.s32 s0, $0x0;
	s0 =	rddreg [dreg:$0x3]  }
0x162: {  	s0 =	sadd.s32 @!p0 $0x100000, s0  }
0x163: {  	[sflag:s0] =	ssyncadd.tile.s32 @!p0 $0x1;
	_ =	shalt  }
.Lfunc_end2:
_tile_overlayer_lowered:
.L_overlay_start_2:
0x164: {  	(tag) =	ssettag $0x2  }
0x165: {  	s0 =	rddreg [dreg:$0x0];
	s2 =	stileid.u32  }
0x166: {  	s1 =	rddreg [dreg:$0x1];
	p0 =	sne.s32 s2, $0x0  }
0x167: {  	s3 =	rddreg [dreg:$0x2];
	[bflag:$0x3] =	sbarrier.arrive $0xFFFF;
	s2 =	simm.s32 @!p0 $0x1C07  }
0x168: {  	[timem:s3], [sflag:s2] =	dma.local @!p0 [hbm:s0], s1  }
0x169: {  	s0 =	simm.s32 @!p0 $0x7  }
0x16a: {  	_ =	swait.ge @!p0 [sflag:s0], s1  }
0x16b: {  	s1 =	ssub.s32 @!p0 $0x0, s1;
	[sflag:s0] =	ssyncset.done @!p0 $0x0  }
0x16c: {  	[sflag:s0] =	ssyncadd.s32 @!p0 s1  }
0x16d: {  	[bflag:$0x3] =	sbarrier.arrive $0xFFFF  }
0x16e: {  	_ =	shalt  }

</sc_bundles>
